<compile_context>
chip_gen: v7x
topology: tpu7x:2x2x1
jax: 0.10.2.dev20260603
libtpu: 0.0.44.dev20260713+nightly
codegen_flags: <defaults>
</compile_context>

<pallas_src>
import functools

import jax
import jax.numpy as jnp
from jax import lax
from jax.experimental import pallas as pl
from jax.experimental.pallas import tpu as pltpu
from jax.experimental.pallas import tpu_sc as plsc

_BLANK = 0
_T = 8192
_L = 29
_PAD = 16
_NSUB = 16
_CHUNK = _T // _NSUB
_WIN = _CHUNK + _PAD
_NVEC = _CHUNK // 16
_ROW = _CHUNK + 16


def _decode_body(eflat, packed_out, cnt_out, buf, idxb, locout, outv, cvec,
                 offs, allc, sh):
    cid = lax.axis_index("c")
    wid = lax.axis_index("s")
    iota = lax.broadcasted_iota(jnp.int32, (16,), 0)

    @pl.when(cid == 0)
    def _phase1():
        riota = iota * _L

        first = wid == 0
        src = jnp.where(first, 0, wid * (_CHUNK * _L) - _PAD * _L)
        start = jnp.where(first, 0, _PAD)
        pltpu.sync_copy(eflat.at[pl.ds(src, _WIN * _L)], buf)

        def argmax_vec(j, _):
            colbase = j * (16 * _L)
            best = plsc.load_gather(buf, [riota + colbase])
            bidx = jnp.zeros((16,), jnp.int32)
            for r in range(1, _L):
                v = plsc.load_gather(buf, [riota + (colbase + r)])
                gt = v > best
                best = jnp.where(gt, v, best)
                bidx = jnp.where(gt, r, bidx)
            idxb[pl.ds(j * 16, 16)] = bidx
            return 0

        lax.fori_loop(0, _WIN // 16, argmax_vec, 0)

        def init_vec(j, _):
            locout[pl.ds(j * 16, 16)] = jnp.full((16,), -1, jnp.int32)
            return 0

        lax.fori_loop(0, _NVEC, init_vec, 0)

        def dedup_vec(j, cnt):
            base = start + j * 16
            cur = plsc.load_gather(idxb, [iota + base])
            prev = plsc.load_gather(idxb, [jnp.maximum(iota + base - 1, 0)])
            bmask = first & (j == 0) & (iota == 0)
            prev = jnp.where(bmask, -1, prev)
            keep = (cur != prev) & (cur != _BLANK)
            ki = keep.astype(jnp.int32)
            pos = cnt + plsc.cumsum(ki) - 1
            plsc.store_scatter(locout, [pos], cur, mask=keep)
            return cnt + jnp.sum(ki)

        cnt = lax.fori_loop(0, _NVEC, dedup_vec, jnp.int32(0))

        pltpu.sync_copy(locout, sh.at[pl.ds(wid * _ROW, _CHUNK)])
        cvec[...] = jnp.zeros((16,), jnp.int32) + cnt
        pltpu.sync_copy(cvec, sh.at[pl.ds(wid * _ROW + _CHUNK, 16)])

    plsc.subcore_barrier()

    @pl.when(cid == 0)
    def _phase2():
        pltpu.sync_copy(sh.at[pl.ds(0, _NSUB * _ROW)], allc)
        counts = plsc.load_gather(allc, [iota * _ROW + _CHUNK])
        total = jnp.sum(counts)
        offs[...] = plsc.cumsum(counts) - counts

        def pack_vec(j, _):
            p = wid * _CHUNK + j * 16 + iota
            w = jnp.zeros((16,), jnp.int32)
            for bit in (8, 4, 2, 1):
                cand = w + bit
                offc = plsc.load_gather(offs, [cand])
                w = jnp.where(offc <= p, cand, w)
            myoff = plsc.load_gather(offs, [w])
            local = jnp.minimum(p - myoff, _CHUNK - 1)
            val = plsc.load_gather(allc, [w * _ROW + local])
            outv[pl.ds(j * 16, 16)] = jnp.where(p < total, val, -1)
            return 0

        lax.fori_loop(0, _NVEC, pack_vec, 0)
        pltpu.sync_copy(outv, packed_out.at[pl.ds(wid * _CHUNK, _CHUNK)])

        @pl.when(wid == 0)
        def _():
            cvec[...] = jnp.zeros((16,), jnp.int32) + total
            pltpu.sync_copy(cvec, cnt_out)


_decode = functools.partial(
    pl.kernel,
    out_type=[
        jax.ShapeDtypeStruct((_T,), jnp.int32),
        jax.ShapeDtypeStruct((16,), jnp.int32),
    ],
    mesh=plsc.VectorSubcoreMesh(core_axis_name="c", subcore_axis_name="s"),
    compiler_params=pltpu.CompilerParams(needs_layout_passes=False),
    scratch_types=[
        pltpu.VMEM((_WIN * _L,), jnp.float32),
        pltpu.VMEM((_WIN,), jnp.int32),
        pltpu.VMEM((_CHUNK,), jnp.int32),
        pltpu.VMEM((_CHUNK,), jnp.int32),
        pltpu.VMEM((16,), jnp.int32),
        pltpu.VMEM((16,), jnp.int32),
        pltpu.VMEM((_NSUB * _ROW,), jnp.int32),
        pltpu.VMEM_SHARED((_NSUB * _ROW,), jnp.int32),
    ],
)(_decode_body)


def kernel(emissions):
    eflat = emissions[0].reshape(-1)
    packed, cnt16 = _decode(eflat)
    return packed, cnt16[0]

# --- scband reference (transcript-rebuilt; emitter-appended) ---
"""Pipeline reference for scband-greedy-ctcdecoder-52269751992372 (READ-ONLY COPY).

The authoritative reference and input builder live on the scoring server;
editing this copy changes nothing except your own understanding.
"""

import jax, jax.numpy as jnp
import numpy as np

BLANK = 0

def setup_inputs(seed: int = 0) -> dict:
    key = jax.random.key(seed)
    emissions = jax.random.normal(key, (32, 8192, 29), dtype=jnp.float32)
    return {"emissions": emissions}

def reference(emissions):
    # Faithful numeric core of GreedyCTCDecoder.forward:
    #   emission = emissions[0]; indices = argmax(emission, -1);
    #   indices = unique_consecutive(indices); drop blank tokens.
    # String joining is non-numeric; we return the decoded index sequence
    # packed to the front (padded with -1) plus its valid length, which
    # uniquely determines the transcript given self.labels.
    emission = emissions[0]                      # [T, num_label]
    indices = jnp.argmax(emission, axis=-1)      # [T]
    prev = jnp.concatenate([jnp.full((1,), -1, dtype=indices.dtype), indices[:-1]])
    keep = (indices != prev) & (indices != BLANK)
    count = jnp.sum(keep.astype(jnp.int32))
    filtered = jnp.where(keep, indices, -1)
    # stable sort: kept entries (key 0) move to the front preserving order
    order = jnp.argsort((~keep).astype(jnp.int32), stable=True)
    packed = filtered[order]                     # [T], first `count` entries are the decode
    return packed, count

if __name__ == "__main__":
    import jax
    _d = setup_inputs()
    print(jax.jit(kernel)(*tuple(_d.values())))

</pallas_src>

<mosaic_0001>
#map = affine_map<(d0, d1) -> (0)>
module attributes {stable_mosaic.version = 14 : i64} {
  func.func @_decode_body(%arg0: i32, %arg1: i32, %arg2: memref<237568xf32, #tpu.memory_space<hbm>>, %arg3: memref<8192xi32, #tpu.memory_space<hbm>>, %arg4: memref<16xi32, #tpu.memory_space<hbm>>, %arg5: memref<15312xf32, #tpu.memory_space<vmem>>, %arg6: memref<528xi32, #tpu.memory_space<vmem>>, %arg7: memref<512xi32, #tpu.memory_space<vmem>>, %arg8: memref<512xi32, #tpu.memory_space<vmem>>, %arg9: memref<16xi32, #tpu.memory_space<vmem>>, %arg10: memref<16xi32, #tpu.memory_space<vmem>>, %arg11: memref<8448xi32, #tpu.memory_space<vmem>>, %arg12: memref<8448xi32, #tpu.memory_space<vmem_shared>>) attributes {dimension_semantics = [#tpu.dimension_semantics<core_parallel>, #tpu.dimension_semantics<subcore_parallel>], iteration_bounds = array<i64: 2, 16>, scalar_prefetch = 0 : i64, scratch_operands = 8 : i64, tpu.core_type = #tpu.core_type<sc_vector_subcore>, window_params = [{transform_indices = #map}, {transform_indices = #map}, {transform_indices = #map}]} {
    %iota3A = tpu.iota {dimensions = array<i32: 0>} : vector<16xi32>
    %eq3A = arith.constant 0 : i32
    %eq3A_0 = arith.cmpi eq, %arg0, %eq3A : i32
    %convert_element_type3A = arith.extui %eq3A_0 : i1 to i32
    %cond3A = arith.constant 0 : i32
    %cond3A_1 = arith.cmpi ne, %convert_element_type3A, %cond3A : i32
    scf.if %cond3A_1 {
      %mul3A = arith.constant 29 : i32
      %mul3A_7 = vector.broadcast %mul3A : i32 to vector<16xi32>
      %mul3A_8 = arith.muli %iota3A, %mul3A_7 : vector<16xi32>
      %eq3A_9 = arith.constant 0 : i32
      %eq3A_10 = arith.cmpi eq, %arg1, %eq3A_9 : i32
      %mul3A_11 = arith.constant 14848 : i32
      %mul3A_12 = arith.muli %arg1, %mul3A_11 : i32
      %sub3A = arith.constant 464 : i32
      %sub3A_13 = arith.subi %mul3A_12, %sub3A : i32
      %jit3A = arith.constant 0 : i32
      %select_n3A = arith.select %eq3A_10, %jit3A, %sub3A_13 : i32
      %jit3A_14 = arith.constant 0 : i32
      %jit3A_15 = arith.constant 16 : i32
      %select_n3A_16 = arith.select %eq3A_10, %jit3A_14, %jit3A_15 : i32
      "tpu.region"() ({
        %run_scoped3A = tpu.sem_alloc : memref<!tpu.dma_semaphore, #tpu.memory_space<semaphore_mem>>
        %dma_start3A = tpu.memref_slice %arg2[%select_n3A] : memref<237568xf32, #tpu.memory_space<hbm>> -> memref<15312xf32, #tpu.memory_space<hbm>>
        %dma_start3A_46 = tpu.memref_slice %arg2[%select_n3A] : memref<237568xf32, #tpu.memory_space<hbm>> -> memref<15312xf32, #tpu.memory_space<hbm>>
        tpu.enqueue_dma source(%dma_start3A_46 : memref<15312xf32, #tpu.memory_space<hbm>>) target(%arg5 : memref<15312xf32, #tpu.memory_space<vmem>>) target_semaphore(%run_scoped3A : memref<!tpu.dma_semaphore, #tpu.memory_space<semaphore_mem>>)
        %dma_wait3A = tpu.memref_slice %arg2[%select_n3A] : memref<237568xf32, #tpu.memory_space<hbm>> -> memref<15312xf32, #tpu.memory_space<hbm>>
        %dma_wait3A_47 = tpu.memref_slice %arg2[%select_n3A] : memref<237568xf32, #tpu.memory_space<hbm>> -> memref<15312xf32, #tpu.memory_space<hbm>>
        tpu.wait_dma2 semaphore(%run_scoped3A : memref<!tpu.dma_semaphore, #tpu.memory_space<semaphore_mem>>) src(%dma_wait3A_47 : memref<15312xf32, #tpu.memory_space<hbm>>) dst(%arg5 : memref<15312xf32, #tpu.memory_space<vmem>>)
        tpu.yield
      }) : () -> ()
      %scan3A = arith.constant 0 : i32
      %scan3A_17 = arith.constant 0 : i32
      %scan3A_18 = arith.constant 33 : i32
      %scan3A_19 = arith.addi %scan3A_17, %scan3A_18 : i32
      %scan3A_20 = arith.constant 1 : i32
      %scan3A_21 = scf.for %scan3A_46 = %scan3A_17 to %scan3A_19 step %scan3A_20 iter_args(%scan3A_47 = %scan3A) -> (i32)  : i32 {
        %mul3A_48 = arith.constant 464 : i32
        %mul3A_49 = arith.muli %scan3A_46, %mul3A_48 : i32
        %add3A_50 = vector.broadcast %mul3A_49 : i32 to vector<16xi32>
        %add3A_51 = arith.addi %mul3A_8, %add3A_50 : vector<16xi32>
        %gather3A = tpu.vector_load_idx %arg5[%add3A_51] : memref<15312xf32, #tpu.memory_space<vmem>>[vector<16xi32>], vector<16xf32>,
        %broadcast_in_dim3A_52 = arith.constant 0 : i32
        %broadcast_in_dim3A_53 = vector.broadcast %broadcast_in_dim3A_52 : i32 to vector<16xi32>
        %add3A_54 = arith.constant 1 : i32
        %add3A_55 = arith.addi %mul3A_49, %add3A_54 : i32
        %add3A_56 = vector.broadcast %add3A_55 : i32 to vector<16xi32>
        %add3A_57 = arith.addi %mul3A_8, %add3A_56 : vector<16xi32>
        %gather3A_58 = tpu.vector_load_idx %arg5[%add3A_57] : memref<15312xf32, #tpu.memory_space<vmem>>[vector<16xi32>], vector<16xf32>,
        %gt3A = arith.cmpf ogt, %gather3A_58, %gather3A : vector<16xf32>
        %select_n3A_59 = arith.select %gt3A, %gather3A_58, %gather3A : vector<16xi1>, vector<16xf32>
        %jit3A_60 = arith.constant 1 : i32
        %broadcast_in_dim3A_61 = vector.broadcast %jit3A_60 : i32 to vector<16xi32>
        %select_n3A_62 = arith.select %gt3A, %broadcast_in_dim3A_61, %broadcast_in_dim3A_53 : vector<16xi1>, vector<16xi32>
        %add3A_63 = arith.constant 2 : i32
        %add3A_64 = arith.addi %mul3A_49, %add3A_63 : i32
        %add3A_65 = vector.broadcast %add3A_64 : i32 to vector<16xi32>
        %add3A_66 = arith.addi %mul3A_8, %add3A_65 : vector<16xi32>
        %gather3A_67 = tpu.vector_load_idx %arg5[%add3A_66] : memref<15312xf32, #tpu.memory_space<vmem>>[vector<16xi32>], vector<16xf32>,
        %gt3A_68 = arith.cmpf ogt, %gather3A_67, %select_n3A_59 : vector<16xf32>
        %select_n3A_69 = arith.select %gt3A_68, %gather3A_67, %select_n3A_59 : vector<16xi1>, vector<16xf32>
        %jit3A_70 = arith.constant 2 : i32
        %broadcast_in_dim3A_71 = vector.broadcast %jit3A_70 : i32 to vector<16xi32>
        %select_n3A_72 = arith.select %gt3A_68, %broadcast_in_dim3A_71, %select_n3A_62 : vector<16xi1>, vector<16xi32>
        %add3A_73 = arith.constant 3 : i32
        %add3A_74 = arith.addi %mul3A_49, %add3A_73 : i32
        %add3A_75 = vector.broadcast %add3A_74 : i32 to vector<16xi32>
        %add3A_76 = arith.addi %mul3A_8, %add3A_75 : vector<16xi32>
        %gather3A_77 = tpu.vector_load_idx %arg5[%add3A_76] : memref<15312xf32, #tpu.memory_space<vmem>>[vector<16xi32>], vector<16xf32>,
        %gt3A_78 = arith.cmpf ogt, %gather3A_77, %select_n3A_69 : vector<16xf32>
        %select_n3A_79 = arith.select %gt3A_78, %gather3A_77, %select_n3A_69 : vector<16xi1>, vector<16xf32>
        %jit3A_80 = arith.constant 3 : i32
        %broadcast_in_dim3A_81 = vector.broadcast %jit3A_80 : i32 to vector<16xi32>
        %select_n3A_82 = arith.select %gt3A_78, %broadcast_in_dim3A_81, %select_n3A_72 : vector<16xi1>, vector<16xi32>
        %add3A_83 = arith.constant 4 : i32
        %add3A_84 = arith.addi %mul3A_49, %add3A_83 : i32
        %add3A_85 = vector.broadcast %add3A_84 : i32 to vector<16xi32>
        %add3A_86 = arith.addi %mul3A_8, %add3A_85 : vector<16xi32>
        %gather3A_87 = tpu.vector_load_idx %arg5[%add3A_86] : memref<15312xf32, #tpu.memory_space<vmem>>[vector<16xi32>], vector<16xf32>,
        %gt3A_88 = arith.cmpf ogt, %gather3A_87, %select_n3A_79 : vector<16xf32>
        %select_n3A_89 = arith.select %gt3A_88, %gather3A_87, %select_n3A_79 : vector<16xi1>, vector<16xf32>
        %jit3A_90 = arith.constant 4 : i32
        %broadcast_in_dim3A_91 = vector.broadcast %jit3A_90 : i32 to vector<16xi32>
        %select_n3A_92 = arith.select %gt3A_88, %broadcast_in_dim3A_91, %select_n3A_82 : vector<16xi1>, vector<16xi32>
        %add3A_93 = arith.constant 5 : i32
        %add3A_94 = arith.addi %mul3A_49, %add3A_93 : i32
        %add3A_95 = vector.broadcast %add3A_94 : i32 to vector<16xi32>
        %add3A_96 = arith.addi %mul3A_8, %add3A_95 : vector<16xi32>
        %gather3A_97 = tpu.vector_load_idx %arg5[%add3A_96] : memref<15312xf32, #tpu.memory_space<vmem>>[vector<16xi32>], vector<16xf32>,
        %gt3A_98 = arith.cmpf ogt, %gather3A_97, %select_n3A_89 : vector<16xf32>
        %select_n3A_99 = arith.select %gt3A_98, %gather3A_97, %select_n3A_89 : vector<16xi1>, vector<16xf32>
        %jit3A_100 = arith.constant 5 : i32
        %broadcast_in_dim3A_101 = vector.broadcast %jit3A_100 : i32 to vector<16xi32>
        %select_n3A_102 = arith.select %gt3A_98, %broadcast_in_dim3A_101, %select_n3A_92 : vector<16xi1>, vector<16xi32>
        %add3A_103 = arith.constant 6 : i32
        %add3A_104 = arith.addi %mul3A_49, %add3A_103 : i32
        %add3A_105 = vector.broadcast %add3A_104 : i32 to vector<16xi32>
        %add3A_106 = arith.addi %mul3A_8, %add3A_105 : vector<16xi32>
        %gather3A_107 = tpu.vector_load_idx %arg5[%add3A_106] : memref<15312xf32, #tpu.memory_space<vmem>>[vector<16xi32>], vector<16xf32>,
        %gt3A_108 = arith.cmpf ogt, %gather3A_107, %select_n3A_99 : vector<16xf32>
        %select_n3A_109 = arith.select %gt3A_108, %gather3A_107, %select_n3A_99 : vector<16xi1>, vector<16xf32>
        %jit3A_110 = arith.constant 6 : i32
        %broadcast_in_dim3A_111 = vector.broadcast %jit3A_110 : i32 to vector<16xi32>
        %select_n3A_112 = arith.select %gt3A_108, %broadcast_in_dim3A_111, %select_n3A_102 : vector<16xi1>, vector<16xi32>
        %add3A_113 = arith.constant 7 : i32
        %add3A_114 = arith.addi %mul3A_49, %add3A_113 : i32
        %add3A_115 = vector.broadcast %add3A_114 : i32 to vector<16xi32>
        %add3A_116 = arith.addi %mul3A_8, %add3A_115 : vector<16xi32>
        %gather3A_117 = tpu.vector_load_idx %arg5[%add3A_116] : memref<15312xf32, #tpu.memory_space<vmem>>[vector<16xi32>], vector<16xf32>,
        %gt3A_118 = arith.cmpf ogt, %gather3A_117, %select_n3A_109 : vector<16xf32>
        %select_n3A_119 = arith.select %gt3A_118, %gather3A_117, %select_n3A_109 : vector<16xi1>, vector<16xf32>
        %jit3A_120 = arith.constant 7 : i32
        %broadcast_in_dim3A_121 = vector.broadcast %jit3A_120 : i32 to vector<16xi32>
        %select_n3A_122 = arith.select %gt3A_118, %broadcast_in_dim3A_121, %select_n3A_112 : vector<16xi1>, vector<16xi32>
        %add3A_123 = arith.constant 8 : i32
        %add3A_124 = arith.addi %mul3A_49, %add3A_123 : i32
        %add3A_125 = vector.broadcast %add3A_124 : i32 to vector<16xi32>
        %add3A_126 = arith.addi %mul3A_8, %add3A_125 : vector<16xi32>
        %gather3A_127 = tpu.vector_load_idx %arg5[%add3A_126] : memref<15312xf32, #tpu.memory_space<vmem>>[vector<16xi32>], vector<16xf32>,
        %gt3A_128 = arith.cmpf ogt, %gather3A_127, %select_n3A_119 : vector<16xf32>
        %select_n3A_129 = arith.select %gt3A_128, %gather3A_127, %select_n3A_119 : vector<16xi1>, vector<16xf32>
        %jit3A_130 = arith.constant 8 : i32
        %broadcast_in_dim3A_131 = vector.broadcast %jit3A_130 : i32 to vector<16xi32>
        %select_n3A_132 = arith.select %gt3A_128, %broadcast_in_dim3A_131, %select_n3A_122 : vector<16xi1>, vector<16xi32>
        %add3A_133 = arith.constant 9 : i32
        %add3A_134 = arith.addi %mul3A_49, %add3A_133 : i32
        %add3A_135 = vector.broadcast %add3A_134 : i32 to vector<16xi32>
        %add3A_136 = arith.addi %mul3A_8, %add3A_135 : vector<16xi32>
        %gather3A_137 = tpu.vector_load_idx %arg5[%add3A_136] : memref<15312xf32, #tpu.memory_space<vmem>>[vector<16xi32>], vector<16xf32>,
        %gt3A_138 = arith.cmpf ogt, %gather3A_137, %select_n3A_129 : vector<16xf32>
        %select_n3A_139 = arith.select %gt3A_138, %gather3A_137, %select_n3A_129 : vector<16xi1>, vector<16xf32>
        %jit3A_140 = arith.constant 9 : i32
        %broadcast_in_dim3A_141 = vector.broadcast %jit3A_140 : i32 to vector<16xi32>
        %select_n3A_142 = arith.select %gt3A_138, %broadcast_in_dim3A_141, %select_n3A_132 : vector<16xi1>, vector<16xi32>
        %add3A_143 = arith.constant 10 : i32
        %add3A_144 = arith.addi %mul3A_49, %add3A_143 : i32
        %add3A_145 = vector.broadcast %add3A_144 : i32 to vector<16xi32>
        %add3A_146 = arith.addi %mul3A_8, %add3A_145 : vector<16xi32>
        %gather3A_147 = tpu.vector_load_idx %arg5[%add3A_146] : memref<15312xf32, #tpu.memory_space<vmem>>[vector<16xi32>], vector<16xf32>,
        %gt3A_148 = arith.cmpf ogt, %gather3A_147, %select_n3A_139 : vector<16xf32>
        %select_n3A_149 = arith.select %gt3A_148, %gather3A_147, %select_n3A_139 : vector<16xi1>, vector<16xf32>
        %jit3A_150 = arith.constant 10 : i32
        %broadcast_in_dim3A_151 = vector.broadcast %jit3A_150 : i32 to vector<16xi32>
        %select_n3A_152 = arith.select %gt3A_148, %broadcast_in_dim3A_151, %select_n3A_142 : vector<16xi1>, vector<16xi32>
        %add3A_153 = arith.constant 11 : i32
        %add3A_154 = arith.addi %mul3A_49, %add3A_153 : i32
        %add3A_155 = vector.broadcast %add3A_154 : i32 to vector<16xi32>
        %add3A_156 = arith.addi %mul3A_8, %add3A_155 : vector<16xi32>
        %gather3A_157 = tpu.vector_load_idx %arg5[%add3A_156] : memref<15312xf32, #tpu.memory_space<vmem>>[vector<16xi32>], vector<16xf32>,
        %gt3A_158 = arith.cmpf ogt, %gather3A_157, %select_n3A_149 : vector<16xf32>
        %select_n3A_159 = arith.select %gt3A_158, %gather3A_157, %select_n3A_149 : vector<16xi1>, vector<16xf32>
        %jit3A_160 = arith.constant 11 : i32
        %broadcast_in_dim3A_161 = vector.broadcast %jit3A_160 : i32 to vector<16xi32>
        %select_n3A_162 = arith.select %gt3A_158, %broadcast_in_dim3A_161, %select_n3A_152 : vector<16xi1>, vector<16xi32>
        %add3A_163 = arith.constant 12 : i32
        %add3A_164 = arith.addi %mul3A_49, %add3A_163 : i32
        %add3A_165 = vector.broadcast %add3A_164 : i32 to vector<16xi32>
        %add3A_166 = arith.addi %mul3A_8, %add3A_165 : vector<16xi32>
        %gather3A_167 = tpu.vector_load_idx %arg5[%add3A_166] : memref<15312xf32, #tpu.memory_space<vmem>>[vector<16xi32>], vector<16xf32>,
        %gt3A_168 = arith.cmpf ogt, %gather3A_167, %select_n3A_159 : vector<16xf32>
        %select_n3A_169 = arith.select %gt3A_168, %gather3A_167, %select_n3A_159 : vector<16xi1>, vector<16xf32>
        %jit3A_170 = arith.constant 12 : i32
        %broadcast_in_dim3A_171 = vector.broadcast %jit3A_170 : i32 to vector<16xi32>
        %select_n3A_172 = arith.select %gt3A_168, %broadcast_in_dim3A_171, %select_n3A_162 : vector<16xi1>, vector<16xi32>
        %add3A_173 = arith.constant 13 : i32
        %add3A_174 = arith.addi %mul3A_49, %add3A_173 : i32
        %add3A_175 = vector.broadcast %add3A_174 : i32 to vector<16xi32>
        %add3A_176 = arith.addi %mul3A_8, %add3A_175 : vector<16xi32>
        %gather3A_177 = tpu.vector_load_idx %arg5[%add3A_176] : memref<15312xf32, #tpu.memory_space<vmem>>[vector<16xi32>], vector<16xf32>,
        %gt3A_178 = arith.cmpf ogt, %gather3A_177, %select_n3A_169 : vector<16xf32>
        %select_n3A_179 = arith.select %gt3A_178, %gather3A_177, %select_n3A_169 : vector<16xi1>, vector<16xf32>
        %jit3A_180 = arith.constant 13 : i32
        %broadcast_in_dim3A_181 = vector.broadcast %jit3A_180 : i32 to vector<16xi32>
        %select_n3A_182 = arith.select %gt3A_178, %broadcast_in_dim3A_181, %select_n3A_172 : vector<16xi1>, vector<16xi32>
        %add3A_183 = arith.constant 14 : i32
        %add3A_184 = arith.addi %mul3A_49, %add3A_183 : i32
        %add3A_185 = vector.broadcast %add3A_184 : i32 to vector<16xi32>
        %add3A_186 = arith.addi %mul3A_8, %add3A_185 : vector<16xi32>
        %gather3A_187 = tpu.vector_load_idx %arg5[%add3A_186] : memref<15312xf32, #tpu.memory_space<vmem>>[vector<16xi32>], vector<16xf32>,
        %gt3A_188 = arith.cmpf ogt, %gather3A_187, %select_n3A_179 : vector<16xf32>
        %select_n3A_189 = arith.select %gt3A_188, %gather3A_187, %select_n3A_179 : vector<16xi1>, vector<16xf32>
        %jit3A_190 = arith.constant 14 : i32
        %broadcast_in_dim3A_191 = vector.broadcast %jit3A_190 : i32 to vector<16xi32>
        %select_n3A_192 = arith.select %gt3A_188, %broadcast_in_dim3A_191, %select_n3A_182 : vector<16xi1>, vector<16xi32>
        %add3A_193 = arith.constant 15 : i32
        %add3A_194 = arith.addi %mul3A_49, %add3A_193 : i32
        %add3A_195 = vector.broadcast %add3A_194 : i32 to vector<16xi32>
        %add3A_196 = arith.addi %mul3A_8, %add3A_195 : vector<16xi32>
        %gather3A_197 = tpu.vector_load_idx %arg5[%add3A_196] : memref<15312xf32, #tpu.memory_space<vmem>>[vector<16xi32>], vector<16xf32>,
        %gt3A_198 = arith.cmpf ogt, %gather3A_197, %select_n3A_189 : vector<16xf32>
        %select_n3A_199 = arith.select %gt3A_198, %gather3A_197, %select_n3A_189 : vector<16xi1>, vector<16xf32>
        %jit3A_200 = arith.constant 15 : i32
        %broadcast_in_dim3A_201 = vector.broadcast %jit3A_200 : i32 to vector<16xi32>
        %select_n3A_202 = arith.select %gt3A_198, %broadcast_in_dim3A_201, %select_n3A_192 : vector<16xi1>, vector<16xi32>
        %add3A_203 = arith.constant 16 : i32
        %add3A_204 = arith.addi %mul3A_49, %add3A_203 : i32
        %add3A_205 = vector.broadcast %add3A_204 : i32 to vector<16xi32>
        %add3A_206 = arith.addi %mul3A_8, %add3A_205 : vector<16xi32>
        %gather3A_207 = tpu.vector_load_idx %arg5[%add3A_206] : memref<15312xf32, #tpu.memory_space<vmem>>[vector<16xi32>], vector<16xf32>,
        %gt3A_208 = arith.cmpf ogt, %gather3A_207, %select_n3A_199 : vector<16xf32>
        %select_n3A_209 = arith.select %gt3A_208, %gather3A_207, %select_n3A_199 : vector<16xi1>, vector<16xf32>
        %jit3A_210 = arith.constant 16 : i32
        %broadcast_in_dim3A_211 = vector.broadcast %jit3A_210 : i32 to vector<16xi32>
        %select_n3A_212 = arith.select %gt3A_208, %broadcast_in_dim3A_211, %select_n3A_202 : vector<16xi1>, vector<16xi32>
        %add3A_213 = arith.constant 17 : i32
        %add3A_214 = arith.addi %mul3A_49, %add3A_213 : i32
        %add3A_215 = vector.broadcast %add3A_214 : i32 to vector<16xi32>
        %add3A_216 = arith.addi %mul3A_8, %add3A_215 : vector<16xi32>
        %gather3A_217 = tpu.vector_load_idx %arg5[%add3A_216] : memref<15312xf32, #tpu.memory_space<vmem>>[vector<16xi32>], vector<16xf32>,
        %gt3A_218 = arith.cmpf ogt, %gather3A_217, %select_n3A_209 : vector<16xf32>
        %select_n3A_219 = arith.select %gt3A_218, %gather3A_217, %select_n3A_209 : vector<16xi1>, vector<16xf32>
        %jit3A_220 = arith.constant 17 : i32
        %broadcast_in_dim3A_221 = vector.broadcast %jit3A_220 : i32 to vector<16xi32>
        %select_n3A_222 = arith.select %gt3A_218, %broadcast_in_dim3A_221, %select_n3A_212 : vector<16xi1>, vector<16xi32>
        %add3A_223 = arith.constant 18 : i32
        %add3A_224 = arith.addi %mul3A_49, %add3A_223 : i32
        %add3A_225 = vector.broadcast %add3A_224 : i32 to vector<16xi32>
        %add3A_226 = arith.addi %mul3A_8, %add3A_225 : vector<16xi32>
        %gather3A_227 = tpu.vector_load_idx %arg5[%add3A_226] : memref<15312xf32, #tpu.memory_space<vmem>>[vector<16xi32>], vector<16xf32>,
        %gt3A_228 = arith.cmpf ogt, %gather3A_227, %select_n3A_219 : vector<16xf32>
        %select_n3A_229 = arith.select %gt3A_228, %gather3A_227, %select_n3A_219 : vector<16xi1>, vector<16xf32>
        %jit3A_230 = arith.constant 18 : i32
        %broadcast_in_dim3A_231 = vector.broadcast %jit3A_230 : i32 to vector<16xi32>
        %select_n3A_232 = arith.select %gt3A_228, %broadcast_in_dim3A_231, %select_n3A_222 : vector<16xi1>, vector<16xi32>
        %add3A_233 = arith.constant 19 : i32
        %add3A_234 = arith.addi %mul3A_49, %add3A_233 : i32
        %add3A_235 = vector.broadcast %add3A_234 : i32 to vector<16xi32>
        %add3A_236 = arith.addi %mul3A_8, %add3A_235 : vector<16xi32>
        %gather3A_237 = tpu.vector_load_idx %arg5[%add3A_236] : memref<15312xf32, #tpu.memory_space<vmem>>[vector<16xi32>], vector<16xf32>,
        %gt3A_238 = arith.cmpf ogt, %gather3A_237, %select_n3A_229 : vector<16xf32>
        %select_n3A_239 = arith.select %gt3A_238, %gather3A_237, %select_n3A_229 : vector<16xi1>, vector<16xf32>
        %jit3A_240 = arith.constant 19 : i32
        %broadcast_in_dim3A_241 = vector.broadcast %jit3A_240 : i32 to vector<16xi32>
        %select_n3A_242 = arith.select %gt3A_238, %broadcast_in_dim3A_241, %select_n3A_232 : vector<16xi1>, vector<16xi32>
        %add3A_243 = arith.constant 20 : i32
        %add3A_244 = arith.addi %mul3A_49, %add3A_243 : i32
        %add3A_245 = vector.broadcast %add3A_244 : i32 to vector<16xi32>
        %add3A_246 = arith.addi %mul3A_8, %add3A_245 : vector<16xi32>
        %gather3A_247 = tpu.vector_load_idx %arg5[%add3A_246] : memref<15312xf32, #tpu.memory_space<vmem>>[vector<16xi32>], vector<16xf32>,
        %gt3A_248 = arith.cmpf ogt, %gather3A_247, %select_n3A_239 : vector<16xf32>
        %select_n3A_249 = arith.select %gt3A_248, %gather3A_247, %select_n3A_239 : vector<16xi1>, vector<16xf32>
        %jit3A_250 = arith.constant 20 : i32
        %broadcast_in_dim3A_251 = vector.broadcast %jit3A_250 : i32 to vector<16xi32>
        %select_n3A_252 = arith.select %gt3A_248, %broadcast_in_dim3A_251, %select_n3A_242 : vector<16xi1>, vector<16xi32>
        %add3A_253 = arith.constant 21 : i32
        %add3A_254 = arith.addi %mul3A_49, %add3A_253 : i32
        %add3A_255 = vector.broadcast %add3A_254 : i32 to vector<16xi32>
        %add3A_256 = arith.addi %mul3A_8, %add3A_255 : vector<16xi32>
        %gather3A_257 = tpu.vector_load_idx %arg5[%add3A_256] : memref<15312xf32, #tpu.memory_space<vmem>>[vector<16xi32>], vector<16xf32>,
        %gt3A_258 = arith.cmpf ogt, %gather3A_257, %select_n3A_249 : vector<16xf32>
        %select_n3A_259 = arith.select %gt3A_258, %gather3A_257, %select_n3A_249 : vector<16xi1>, vector<16xf32>
        %jit3A_260 = arith.constant 21 : i32
        %broadcast_in_dim3A_261 = vector.broadcast %jit3A_260 : i32 to vector<16xi32>
        %select_n3A_262 = arith.select %gt3A_258, %broadcast_in_dim3A_261, %select_n3A_252 : vector<16xi1>, vector<16xi32>
        %add3A_263 = arith.constant 22 : i32
        %add3A_264 = arith.addi %mul3A_49, %add3A_263 : i32
        %add3A_265 = vector.broadcast %add3A_264 : i32 to vector<16xi32>
        %add3A_266 = arith.addi %mul3A_8, %add3A_265 : vector<16xi32>
        %gather3A_267 = tpu.vector_load_idx %arg5[%add3A_266] : memref<15312xf32, #tpu.memory_space<vmem>>[vector<16xi32>], vector<16xf32>,
        %gt3A_268 = arith.cmpf ogt, %gather3A_267, %select_n3A_259 : vector<16xf32>
        %select_n3A_269 = arith.select %gt3A_268, %gather3A_267, %select_n3A_259 : vector<16xi1>, vector<16xf32>
        %jit3A_270 = arith.constant 22 : i32
        %broadcast_in_dim3A_271 = vector.broadcast %jit3A_270 : i32 to vector<16xi32>
        %select_n3A_272 = arith.select %gt3A_268, %broadcast_in_dim3A_271, %select_n3A_262 : vector<16xi1>, vector<16xi32>
        %add3A_273 = arith.constant 23 : i32
        %add3A_274 = arith.addi %mul3A_49, %add3A_273 : i32
        %add3A_275 = vector.broadcast %add3A_274 : i32 to vector<16xi32>
        %add3A_276 = arith.addi %mul3A_8, %add3A_275 : vector<16xi32>
        %gather3A_277 = tpu.vector_load_idx %arg5[%add3A_276] : memref<15312xf32, #tpu.memory_space<vmem>>[vector<16xi32>], vector<16xf32>,
        %gt3A_278 = arith.cmpf ogt, %gather3A_277, %select_n3A_269 : vector<16xf32>
        %select_n3A_279 = arith.select %gt3A_278, %gather3A_277, %select_n3A_269 : vector<16xi1>, vector<16xf32>
        %jit3A_280 = arith.constant 23 : i32
        %broadcast_in_dim3A_281 = vector.broadcast %jit3A_280 : i32 to vector<16xi32>
        %select_n3A_282 = arith.select %gt3A_278, %broadcast_in_dim3A_281, %select_n3A_272 : vector<16xi1>, vector<16xi32>
        %add3A_283 = arith.constant 24 : i32
        %add3A_284 = arith.addi %mul3A_49, %add3A_283 : i32
        %add3A_285 = vector.broadcast %add3A_284 : i32 to vector<16xi32>
        %add3A_286 = arith.addi %mul3A_8, %add3A_285 : vector<16xi32>
        %gather3A_287 = tpu.vector_load_idx %arg5[%add3A_286] : memref<15312xf32, #tpu.memory_space<vmem>>[vector<16xi32>], vector<16xf32>,
        %gt3A_288 = arith.cmpf ogt, %gather3A_287, %select_n3A_279 : vector<16xf32>
        %select_n3A_289 = arith.select %gt3A_288, %gather3A_287, %select_n3A_279 : vector<16xi1>, vector<16xf32>
        %jit3A_290 = arith.constant 24 : i32
        %broadcast_in_dim3A_291 = vector.broadcast %jit3A_290 : i32 to vector<16xi32>
        %select_n3A_292 = arith.select %gt3A_288, %broadcast_in_dim3A_291, %select_n3A_282 : vector<16xi1>, vector<16xi32>
        %add3A_293 = arith.constant 25 : i32
        %add3A_294 = arith.addi %mul3A_49, %add3A_293 : i32
        %add3A_295 = vector.broadcast %add3A_294 : i32 to vector<16xi32>
        %add3A_296 = arith.addi %mul3A_8, %add3A_295 : vector<16xi32>
        %gather3A_297 = tpu.vector_load_idx %arg5[%add3A_296] : memref<15312xf32, #tpu.memory_space<vmem>>[vector<16xi32>], vector<16xf32>,
        %gt3A_298 = arith.cmpf ogt, %gather3A_297, %select_n3A_289 : vector<16xf32>
        %select_n3A_299 = arith.select %gt3A_298, %gather3A_297, %select_n3A_289 : vector<16xi1>, vector<16xf32>
        %jit3A_300 = arith.constant 25 : i32
        %broadcast_in_dim3A_301 = vector.broadcast %jit3A_300 : i32 to vector<16xi32>
        %select_n3A_302 = arith.select %gt3A_298, %broadcast_in_dim3A_301, %select_n3A_292 : vector<16xi1>, vector<16xi32>
        %add3A_303 = arith.constant 26 : i32
        %add3A_304 = arith.addi %mul3A_49, %add3A_303 : i32
        %add3A_305 = vector.broadcast %add3A_304 : i32 to vector<16xi32>
        %add3A_306 = arith.addi %mul3A_8, %add3A_305 : vector<16xi32>
        %gather3A_307 = tpu.vector_load_idx %arg5[%add3A_306] : memref<15312xf32, #tpu.memory_space<vmem>>[vector<16xi32>], vector<16xf32>,
        %gt3A_308 = arith.cmpf ogt, %gather3A_307, %select_n3A_299 : vector<16xf32>
        %select_n3A_309 = arith.select %gt3A_308, %gather3A_307, %select_n3A_299 : vector<16xi1>, vector<16xf32>
        %jit3A_310 = arith.constant 26 : i32
        %broadcast_in_dim3A_311 = vector.broadcast %jit3A_310 : i32 to vector<16xi32>
        %select_n3A_312 = arith.select %gt3A_308, %broadcast_in_dim3A_311, %select_n3A_302 : vector<16xi1>, vector<16xi32>
        %add3A_313 = arith.constant 27 : i32
        %add3A_314 = arith.addi %mul3A_49, %add3A_313 : i32
        %add3A_315 = vector.broadcast %add3A_314 : i32 to vector<16xi32>
        %add3A_316 = arith.addi %mul3A_8, %add3A_315 : vector<16xi32>
        %gather3A_317 = tpu.vector_load_idx %arg5[%add3A_316] : memref<15312xf32, #tpu.memory_space<vmem>>[vector<16xi32>], vector<16xf32>,
        %gt3A_318 = arith.cmpf ogt, %gather3A_317, %select_n3A_309 : vector<16xf32>
        %select_n3A_319 = arith.select %gt3A_318, %gather3A_317, %select_n3A_309 : vector<16xi1>, vector<16xf32>
        %jit3A_320 = arith.constant 27 : i32
        %broadcast_in_dim3A_321 = vector.broadcast %jit3A_320 : i32 to vector<16xi32>
        %select_n3A_322 = arith.select %gt3A_318, %broadcast_in_dim3A_321, %select_n3A_312 : vector<16xi1>, vector<16xi32>
        %add3A_323 = arith.constant 28 : i32
        %add3A_324 = arith.addi %mul3A_49, %add3A_323 : i32
        %add3A_325 = vector.broadcast %add3A_324 : i32 to vector<16xi32>
        %add3A_326 = arith.addi %mul3A_8, %add3A_325 : vector<16xi32>
        %gather3A_327 = tpu.vector_load_idx %arg5[%add3A_326] : memref<15312xf32, #tpu.memory_space<vmem>>[vector<16xi32>], vector<16xf32>,
        %gt3A_328 = arith.cmpf ogt, %gather3A_327, %select_n3A_319 : vector<16xf32>
        %select_n3A_329 = arith.select %gt3A_328, %gather3A_327, %select_n3A_319 : vector<16xi1>, vector<16xf32>
        %jit3A_330 = arith.constant 28 : i32
        %broadcast_in_dim3A_331 = vector.broadcast %jit3A_330 : i32 to vector<16xi32>
        %select_n3A_332 = arith.select %gt3A_328, %broadcast_in_dim3A_331, %select_n3A_322 : vector<16xi1>, vector<16xi32>
        %mul3A_333 = arith.constant 16 : i32
        %mul3A_334 = arith.muli %scan3A_46, %mul3A_333 : i32
        %swap3A_335 = arith.index_cast %mul3A_334 : i32 to index
        %swap3A_336 = tpu.vector_load %arg6[%swap3A_335] {strides = array<i32>} : memref<528xi32, #tpu.memory_space<vmem>>, vector<16xi32>,
        tpu.vector_store %arg6[%swap3A_335], %select_n3A_332 {strides = array<i32>} : memref<528xi32, #tpu.memory_space<vmem>>, vector<16xi32>,
        %scan3A_337 = arith.constant 0 : i32
        scf.yield %scan3A_337 : i32
      }
      %scan3A_22 = arith.constant 33 : i32
      %scan3A_23 = arith.constant 0 : i32
      %scan3A_24 = arith.constant 0 : i32
      %scan3A_25 = arith.constant 32 : i32
      %scan3A_26 = arith.addi %scan3A_24, %scan3A_25 : i32
      %scan3A_27 = arith.constant 1 : i32
      %scan3A_28 = scf.for %scan3A_46 = %scan3A_24 to %scan3A_26 step %scan3A_27 iter_args(%scan3A_47 = %scan3A_23) -> (i32)  : i32 {
        %broadcast_in_dim3A_48 = arith.constant -1 : i32
        %broadcast_in_dim3A_49 = vector.broadcast %broadcast_in_dim3A_48 : i32 to vector<16xi32>
        %mul3A_50 = arith.constant 16 : i32
        %mul3A_51 = arith.muli %scan3A_46, %mul3A_50 : i32
        %swap3A_52 = arith.index_cast %mul3A_51 : i32 to index
        %swap3A_53 = tpu.vector_load %arg7[%swap3A_52] {strides = array<i32>} : memref<512xi32, #tpu.memory_space<vmem>>, vector<16xi32>,
        tpu.vector_store %arg7[%swap3A_52], %broadcast_in_dim3A_49 {strides = array<i32>} : memref<512xi32, #tpu.memory_space<vmem>>, vector<16xi32>,
        %scan3A_54 = arith.constant 0 : i32
        scf.yield %scan3A_54 : i32
      }
      %scan3A_29 = arith.constant 32 : i32
      %scan3A_30 = arith.constant 0 : i32
      %scan3A_31 = arith.constant 0 : i32
      %scan3A_32 = arith.constant 32 : i32
      %scan3A_33 = arith.addi %scan3A_31, %scan3A_32 : i32
      %scan3A_34 = arith.constant 1 : i32
      %scan3A_35 = scf.for %scan3A_46 = %scan3A_31 to %scan3A_33 step %scan3A_34 iter_args(%scan3A_47 = %scan3A_30) -> (i32)  : i32 {
        %mul3A_48 = arith.constant 16 : i32
        %mul3A_49 = arith.muli %scan3A_46, %mul3A_48 : i32
        %add3A_50 = arith.addi %select_n3A_16, %mul3A_49 : i32
        %add3A_51 = vector.broadcast %add3A_50 : i32 to vector<16xi32>
        %add3A_52 = arith.addi %iota3A, %add3A_51 : vector<16xi32>
        %gather3A = tpu.vector_load_idx %arg6[%add3A_52] : memref<528xi32, #tpu.memory_space<vmem>>[vector<16xi32>], vector<16xi32>,
        %add3A_53 = vector.broadcast %add3A_50 : i32 to vector<16xi32>
        %add3A_54 = arith.addi %iota3A, %add3A_53 : vector<16xi32>
        %sub3A_55 = arith.constant 1 : i32
        %sub3A_56 = vector.broadcast %sub3A_55 : i32 to vector<16xi32>
        %sub3A_57 = arith.subi %add3A_54, %sub3A_56 : vector<16xi32>
        %max3A = arith.constant 0 : i32
        %max3A_58 = vector.broadcast %max3A : i32 to vector<16xi32>
        %max3A_59 = arith.maxsi %sub3A_57, %max3A_58 : vector<16xi32>
        %gather3A_60 = tpu.vector_load_idx %arg6[%max3A_59] : memref<528xi32, #tpu.memory_space<vmem>>[vector<16xi32>], vector<16xi32>,
        %eq3A_61 = arith.constant 0 : i32
        %eq3A_62 = arith.cmpi eq, %scan3A_46, %eq3A_61 : i32
        %and3A = arith.andi %eq3A_10, %eq3A_62 : i1
        %eq3A_63 = arith.constant 0 : i32
        %eq3A_64 = vector.broadcast %eq3A_63 : i32 to vector<16xi32>
        %eq3A_65 = arith.cmpi eq, %iota3A, %eq3A_64 : vector<16xi32>
        %and3A_66 = vector.broadcast %and3A : i1 to vector<16xi1>
        %and3A_67 = arith.andi %and3A_66, %eq3A_65 : vector<16xi1>
        %jit3A_68 = arith.constant -1 : i32
        %broadcast_in_dim3A_69 = vector.broadcast %jit3A_68 : i32 to vector<16xi32>
        %select_n3A_70 = arith.select %and3A_67, %broadcast_in_dim3A_69, %gather3A_60 : vector<16xi1>, vector<16xi32>
        %ne3A = arith.cmpi ne, %gather3A, %select_n3A_70 : vector<16xi32>
        %ne3A_71 = arith.constant 0 : i32
        %ne3A_72 = vector.broadcast %ne3A_71 : i32 to vector<16xi32>
        %ne3A_73 = arith.cmpi ne, %gather3A, %ne3A_72 : vector<16xi32>
        %and3A_74 = arith.andi %ne3A, %ne3A_73 : vector<16xi1>
        %convert_element_type3A_75 = arith.extui %and3A_74 : vector<16xi1> to vector<16xi32>
        %broadcast_in_dim3A_76 = arith.constant true
        %broadcast_in_dim3A_77 = vector.broadcast %broadcast_in_dim3A_76 : i1 to vector<16xi1>
        %masked_cumsum3A = tpu.scan <sum>, %convert_element_type3A_75 masked %broadcast_in_dim3A_77 : vector<16xi32>, vector<16xi1> -> vector<16xi32>
        %add3A_78 = vector.broadcast %scan3A_47 : i32 to vector<16xi32>
        %add3A_79 = arith.addi %add3A_78, %masked_cumsum3A : vector<16xi32>
        %sub3A_80 = arith.constant 1 : i32
        %sub3A_81 = vector.broadcast %sub3A_80 : i32 to vector<16xi32>
        %sub3A_82 = arith.subi %add3A_79, %sub3A_81 : vector<16xi32>
        tpu.vector_store_idx %arg7[%sub3A_82], %gather3A masked %and3A_74 : memref<512xi32, #tpu.memory_space<vmem>>[vector<16xi32>], vector<16xi32>, vector<16xi1>
        %reduce_sum3A = arith.constant true
        %reduce_sum3A_83 = vector.broadcast %reduce_sum3A : i1 to vector<16xi1>
        %reduce_sum3A_84 = tpu.scan <sum>, %convert_element_type3A_75 masked %reduce_sum3A_83 : vector<16xi32>, vector<16xi1> -> vector<16xi32>
        %reduce_sum3A_85 = vector.extract %reduce_sum3A_84[15] : i32 from vector<16xi32>
        %add3A_86 = arith.addi %scan3A_47, %reduce_sum3A_85 : i32
        scf.yield %add3A_86 : i32
      }
      %scan3A_36 = arith.constant 32 : i32
      %mul3A_37 = arith.constant 528 : i32
      %mul3A_38 = arith.muli %arg1, %mul3A_37 : i32
      "tpu.region"() ({
        %run_scoped3A = tpu.sem_alloc : memref<!tpu.dma_semaphore, #tpu.memory_space<semaphore_mem>>
        %dma_start3A = tpu.memref_slice %arg12[%mul3A_38] : memref<8448xi32, #tpu.memory_space<vmem_shared>> -> memref<512xi32, #tpu.memory_space<vmem_shared>>
        %dma_start3A_46 = tpu.memref_slice %arg12[%mul3A_38] : memref<8448xi32, #tpu.memory_space<vmem_shared>> -> memref<512xi32, #tpu.memory_space<vmem_shared>>
        tpu.enqueue_dma source(%arg7 : memref<512xi32, #tpu.memory_space<vmem>>) target(%dma_start3A_46 : memref<512xi32, #tpu.memory_space<vmem_shared>>) target_semaphore(%run_scoped3A : memref<!tpu.dma_semaphore, #tpu.memory_space<semaphore_mem>>)
        %dma_wait3A = tpu.memref_slice %arg12[%mul3A_38] : memref<8448xi32, #tpu.memory_space<vmem_shared>> -> memref<512xi32, #tpu.memory_space<vmem_shared>>
        %dma_wait3A_47 = tpu.memref_slice %arg12[%mul3A_38] : memref<8448xi32, #tpu.memory_space<vmem_shared>> -> memref<512xi32, #tpu.memory_space<vmem_shared>>
        tpu.wait_dma2 semaphore(%run_scoped3A : memref<!tpu.dma_semaphore, #tpu.memory_space<semaphore_mem>>) src(%arg7 : memref<512xi32, #tpu.memory_space<vmem>>) dst(%dma_wait3A_47 : memref<512xi32, #tpu.memory_space<vmem_shared>>)
        tpu.yield
      }) : () -> ()
      %broadcast_in_dim3A = arith.constant 0 : i32
      %broadcast_in_dim3A_39 = vector.broadcast %broadcast_in_dim3A : i32 to vector<16xi32>
      %add3A = vector.broadcast %scan3A_35 : i32 to vector<16xi32>
      %add3A_40 = arith.addi %broadcast_in_dim3A_39, %add3A : vector<16xi32>
      %swap3A = arith.constant 0 : index
      %swap3A_41 = tpu.vector_load %arg9[%swap3A] {strides = array<i32>} : memref<16xi32, #tpu.memory_space<vmem>>, vector<16xi32>,
      tpu.vector_store %arg9[%swap3A], %add3A_40 {strides = array<i32>} : memref<16xi32, #tpu.memory_space<vmem>>, vector<16xi32>,
      %mul3A_42 = arith.constant 528 : i32
      %mul3A_43 = arith.muli %arg1, %mul3A_42 : i32
      %add3A_44 = arith.constant 512 : i32
      %add3A_45 = arith.addi %mul3A_43, %add3A_44 : i32
      "tpu.region"() ({
        %run_scoped3A = tpu.sem_alloc : memref<!tpu.dma_semaphore, #tpu.memory_space<semaphore_mem>>
        %dma_start3A = tpu.memref_slice %arg12[%add3A_45] : memref<8448xi32, #tpu.memory_space<vmem_shared>> -> memref<16xi32, #tpu.memory_space<vmem_shared>>
        %dma_start3A_46 = tpu.memref_slice %arg12[%add3A_45] : memref<8448xi32, #tpu.memory_space<vmem_shared>> -> memref<16xi32, #tpu.memory_space<vmem_shared>>
        tpu.enqueue_dma source(%arg9 : memref<16xi32, #tpu.memory_space<vmem>>) target(%dma_start3A_46 : memref<16xi32, #tpu.memory_space<vmem_shared>>) target_semaphore(%run_scoped3A : memref<!tpu.dma_semaphore, #tpu.memory_space<semaphore_mem>>)
        %dma_wait3A = tpu.memref_slice %arg12[%add3A_45] : memref<8448xi32, #tpu.memory_space<vmem_shared>> -> memref<16xi32, #tpu.memory_space<vmem_shared>>
        %dma_wait3A_47 = tpu.memref_slice %arg12[%add3A_45] : memref<8448xi32, #tpu.memory_space<vmem_shared>> -> memref<16xi32, #tpu.memory_space<vmem_shared>>
        tpu.wait_dma2 semaphore(%run_scoped3A : memref<!tpu.dma_semaphore, #tpu.memory_space<semaphore_mem>>) src(%arg9 : memref<16xi32, #tpu.memory_space<vmem>>) dst(%dma_wait3A_47 : memref<16xi32, #tpu.memory_space<vmem_shared>>)
        tpu.yield
      }) : () -> ()
    } else {
    }
    %barrier3A = arith.constant 0 : index
    tpu.barrier barrier_id(%barrier3A)
    %eq3A_2 = arith.constant 0 : i32
    %eq3A_3 = arith.cmpi eq, %arg0, %eq3A_2 : i32
    %convert_element_type3A_4 = arith.extui %eq3A_3 : i1 to i32
    %cond3A_5 = arith.constant 0 : i32
    %cond3A_6 = arith.cmpi ne, %convert_element_type3A_4, %cond3A_5 : i32
    scf.if %cond3A_6 {
      "tpu.region"() ({
        %run_scoped3A = tpu.sem_alloc : memref<!tpu.dma_semaphore, #tpu.memory_space<semaphore_mem>>
        %dma_start3A = arith.constant 0 : i32
        %dma_start3A_29 = tpu.memref_slice %arg12[%dma_start3A] : memref<8448xi32, #tpu.memory_space<vmem_shared>> -> memref<8448xi32, #tpu.memory_space<vmem_shared>>
        %dma_start3A_30 = arith.constant 0 : i32
        %dma_start3A_31 = tpu.memref_slice %arg12[%dma_start3A_30] : memref<8448xi32, #tpu.memory_space<vmem_shared>> -> memref<8448xi32, #tpu.memory_space<vmem_shared>>
        tpu.enqueue_dma source(%dma_start3A_31 : memref<8448xi32, #tpu.memory_space<vmem_shared>>) target(%arg11 : memref<8448xi32, #tpu.memory_space<vmem>>) target_semaphore(%run_scoped3A : memref<!tpu.dma_semaphore, #tpu.memory_space<semaphore_mem>>)
        %dma_wait3A = arith.constant 0 : i32
        %dma_wait3A_32 = tpu.memref_slice %arg12[%dma_wait3A] : memref<8448xi32, #tpu.memory_space<vmem_shared>> -> memref<8448xi32, #tpu.memory_space<vmem_shared>>
        %dma_wait3A_33 = arith.constant 0 : i32
        %dma_wait3A_34 = tpu.memref_slice %arg12[%dma_wait3A_33] : memref<8448xi32, #tpu.memory_space<vmem_shared>> -> memref<8448xi32, #tpu.memory_space<vmem_shared>>
        tpu.wait_dma2 semaphore(%run_scoped3A : memref<!tpu.dma_semaphore, #tpu.memory_space<semaphore_mem>>) src(%dma_wait3A_34 : memref<8448xi32, #tpu.memory_space<vmem_shared>>) dst(%arg11 : memref<8448xi32, #tpu.memory_space<vmem>>)
        tpu.yield
      }) : () -> ()
      %mul3A = arith.constant 528 : i32
      %mul3A_7 = vector.broadcast %mul3A : i32 to vector<16xi32>
      %mul3A_8 = arith.muli %iota3A, %mul3A_7 : vector<16xi32>
      %add3A = arith.constant 512 : i32
      %add3A_9 = vector.broadcast %add3A : i32 to vector<16xi32>
      %add3A_10 = arith.addi %mul3A_8, %add3A_9 : vector<16xi32>
      %gather3A = tpu.vector_load_idx %arg11[%add3A_10] : memref<8448xi32, #tpu.memory_space<vmem>>[vector<16xi32>], vector<16xi32>,
      %reduce_sum3A = arith.constant true
      %reduce_sum3A_11 = vector.broadcast %reduce_sum3A : i1 to vector<16xi1>
      %reduce_sum3A_12 = tpu.scan <sum>, %gather3A masked %reduce_sum3A_11 : vector<16xi32>, vector<16xi1> -> vector<16xi32>
      %reduce_sum3A_13 = vector.extract %reduce_sum3A_12[15] : i32 from vector<16xi32>
      %broadcast_in_dim3A = arith.constant true
      %broadcast_in_dim3A_14 = vector.broadcast %broadcast_in_dim3A : i1 to vector<16xi1>
      %masked_cumsum3A = tpu.scan <sum>, %gather3A masked %broadcast_in_dim3A_14 : vector<16xi32>, vector<16xi1> -> vector<16xi32>
      %sub3A = arith.subi %masked_cumsum3A, %gather3A : vector<16xi32>
      %swap3A = arith.constant 0 : index
      %swap3A_15 = tpu.vector_load %arg10[%swap3A] {strides = array<i32>} : memref<16xi32, #tpu.memory_space<vmem>>, vector<16xi32>,
      tpu.vector_store %arg10[%swap3A], %sub3A {strides = array<i32>} : memref<16xi32, #tpu.memory_space<vmem>>, vector<16xi32>,
      %scan3A = arith.constant 0 : i32
      %scan3A_16 = arith.constant 0 : i32
      %scan3A_17 = arith.constant 32 : i32
      %scan3A_18 = arith.addi %scan3A_16, %scan3A_17 : i32
      %scan3A_19 = arith.constant 1 : i32
      %scan3A_20 = scf.for %scan3A_29 = %scan3A_16 to %scan3A_18 step %scan3A_19 iter_args(%scan3A_30 = %scan3A) -> (i32)  : i32 {
        %mul3A_31 = arith.constant 512 : i32
        %mul3A_32 = arith.muli %arg1, %mul3A_31 : i32
        %mul3A_33 = arith.constant 16 : i32
        %mul3A_34 = arith.muli %scan3A_29, %mul3A_33 : i32
        %add3A_35 = arith.addi %mul3A_32, %mul3A_34 : i32
        %add3A_36 = vector.broadcast %add3A_35 : i32 to vector<16xi32>
        %add3A_37 = arith.addi %add3A_36, %iota3A : vector<16xi32>
        %broadcast_in_dim3A_38 = arith.constant 0 : i32
        %broadcast_in_dim3A_39 = vector.broadcast %broadcast_in_dim3A_38 : i32 to vector<16xi32>
        %add3A_40 = arith.constant 8 : i32
        %add3A_41 = vector.broadcast %add3A_40 : i32 to vector<16xi32>
        %add3A_42 = arith.addi %broadcast_in_dim3A_39, %add3A_41 : vector<16xi32>
        %gather3A_43 = tpu.vector_load_idx %arg10[%add3A_42] : memref<16xi32, #tpu.memory_space<vmem>>[vector<16xi32>], vector<16xi32>,
        %le3A = arith.cmpi sle, %gather3A_43, %add3A_37 : vector<16xi32>
        %select_n3A = arith.select %le3A, %add3A_42, %broadcast_in_dim3A_39 : vector<16xi1>, vector<16xi32>
        %add3A_44 = arith.constant 4 : i32
        %add3A_45 = vector.broadcast %add3A_44 : i32 to vector<16xi32>
        %add3A_46 = arith.addi %select_n3A, %add3A_45 : vector<16xi32>
        %gather3A_47 = tpu.vector_load_idx %arg10[%add3A_46] : memref<16xi32, #tpu.memory_space<vmem>>[vector<16xi32>], vector<16xi32>,
        %le3A_48 = arith.cmpi sle, %gather3A_47, %add3A_37 : vector<16xi32>
        %select_n3A_49 = arith.select %le3A_48, %add3A_46, %select_n3A : vector<16xi1>, vector<16xi32>
        %add3A_50 = arith.constant 2 : i32
        %add3A_51 = vector.broadcast %add3A_50 : i32 to vector<16xi32>
        %add3A_52 = arith.addi %select_n3A_49, %add3A_51 : vector<16xi32>
        %gather3A_53 = tpu.vector_load_idx %arg10[%add3A_52] : memref<16xi32, #tpu.memory_space<vmem>>[vector<16xi32>], vector<16xi32>,
        %le3A_54 = arith.cmpi sle, %gather3A_53, %add3A_37 : vector<16xi32>
        %select_n3A_55 = arith.select %le3A_54, %add3A_52, %select_n3A_49 : vector<16xi1>, vector<16xi32>
        %add3A_56 = arith.constant 1 : i32
        %add3A_57 = vector.broadcast %add3A_56 : i32 to vector<16xi32>
        %add3A_58 = arith.addi %select_n3A_55, %add3A_57 : vector<16xi32>
        %gather3A_59 = tpu.vector_load_idx %arg10[%add3A_58] : memref<16xi32, #tpu.memory_space<vmem>>[vector<16xi32>], vector<16xi32>,
        %le3A_60 = arith.cmpi sle, %gather3A_59, %add3A_37 : vector<16xi32>
        %select_n3A_61 = arith.select %le3A_60, %add3A_58, %select_n3A_55 : vector<16xi1>, vector<16xi32>
        %gather3A_62 = tpu.vector_load_idx %arg10[%select_n3A_61] : memref<16xi32, #tpu.memory_space<vmem>>[vector<16xi32>], vector<16xi32>,
        %sub3A_63 = arith.subi %add3A_37, %gather3A_62 : vector<16xi32>
        %min3A = arith.constant 511 : i32
        %min3A_64 = vector.broadcast %min3A : i32 to vector<16xi32>
        %min3A_65 = arith.minsi %sub3A_63, %min3A_64 : vector<16xi32>
        %mul3A_66 = arith.constant 528 : i32
        %mul3A_67 = vector.broadcast %mul3A_66 : i32 to vector<16xi32>
        %mul3A_68 = arith.muli %select_n3A_61, %mul3A_67 : vector<16xi32>
        %add3A_69 = arith.addi %mul3A_68, %min3A_65 : vector<16xi32>
        %gather3A_70 = tpu.vector_load_idx %arg11[%add3A_69] : memref<8448xi32, #tpu.memory_space<vmem>>[vector<16xi32>], vector<16xi32>,
        %lt3A = vector.broadcast %reduce_sum3A_13 : i32 to vector<16xi32>
        %lt3A_71 = arith.cmpi slt, %add3A_37, %lt3A : vector<16xi32>
        %jit3A = arith.constant -1 : i32
        %broadcast_in_dim3A_72 = vector.broadcast %jit3A : i32 to vector<16xi32>
        %select_n3A_73 = arith.select %lt3A_71, %gather3A_70, %broadcast_in_dim3A_72 : vector<16xi1>, vector<16xi32>
        %mul3A_74 = arith.constant 16 : i32
        %mul3A_75 = arith.muli %scan3A_29, %mul3A_74 : i32
        %swap3A_76 = arith.index_cast %mul3A_75 : i32 to index
        %swap3A_77 = tpu.vector_load %arg8[%swap3A_76] {strides = array<i32>} : memref<512xi32, #tpu.memory_space<vmem>>, vector<16xi32>,
        tpu.vector_store %arg8[%swap3A_76], %select_n3A_73 {strides = array<i32>} : memref<512xi32, #tpu.memory_space<vmem>>, vector<16xi32>,
        %scan3A_78 = arith.constant 0 : i32
        scf.yield %scan3A_78 : i32
      }
      %scan3A_21 = arith.constant 32 : i32
      %mul3A_22 = arith.constant 512 : i32
      %mul3A_23 = arith.muli %arg1, %mul3A_22 : i32
      "tpu.region"() ({
        %run_scoped3A = tpu.sem_alloc : memref<!tpu.dma_semaphore, #tpu.memory_space<semaphore_mem>>
        %dma_start3A = tpu.memref_slice %arg3[%mul3A_23] : memref<8192xi32, #tpu.memory_space<hbm>> -> memref<512xi32, #tpu.memory_space<hbm>>
        %dma_start3A_29 = tpu.memref_slice %arg3[%mul3A_23] : memref<8192xi32, #tpu.memory_space<hbm>> -> memref<512xi32, #tpu.memory_space<hbm>>
        tpu.enqueue_dma source(%arg8 : memref<512xi32, #tpu.memory_space<vmem>>) target(%dma_start3A_29 : memref<512xi32, #tpu.memory_space<hbm>>) target_semaphore(%run_scoped3A : memref<!tpu.dma_semaphore, #tpu.memory_space<semaphore_mem>>)
        %dma_wait3A = tpu.memref_slice %arg3[%mul3A_23] : memref<8192xi32, #tpu.memory_space<hbm>> -> memref<512xi32, #tpu.memory_space<hbm>>
        %dma_wait3A_30 = tpu.memref_slice %arg3[%mul3A_23] : memref<8192xi32, #tpu.memory_space<hbm>> -> memref<512xi32, #tpu.memory_space<hbm>>
        tpu.wait_dma2 semaphore(%run_scoped3A : memref<!tpu.dma_semaphore, #tpu.memory_space<semaphore_mem>>) src(%arg8 : memref<512xi32, #tpu.memory_space<vmem>>) dst(%dma_wait3A_30 : memref<512xi32, #tpu.memory_space<hbm>>)
        tpu.yield
      }) : () -> ()
      %eq3A_24 = arith.constant 0 : i32
      %eq3A_25 = arith.cmpi eq, %arg1, %eq3A_24 : i32
      %convert_element_type3A_26 = arith.extui %eq3A_25 : i1 to i32
      %cond3A_27 = arith.constant 0 : i32
      %cond3A_28 = arith.cmpi ne, %convert_element_type3A_26, %cond3A_27 : i32
      scf.if %cond3A_28 {
        %broadcast_in_dim3A_29 = arith.constant 0 : i32
        %broadcast_in_dim3A_30 = vector.broadcast %broadcast_in_dim3A_29 : i32 to vector<16xi32>
        %add3A_31 = vector.broadcast %reduce_sum3A_13 : i32 to vector<16xi32>
        %add3A_32 = arith.addi %broadcast_in_dim3A_30, %add3A_31 : vector<16xi32>
        %swap3A_33 = arith.constant 0 : index
        %swap3A_34 = tpu.vector_load %arg9[%swap3A_33] {strides = array<i32>} : memref<16xi32, #tpu.memory_space<vmem>>, vector<16xi32>,
        tpu.vector_store %arg9[%swap3A_33], %add3A_32 {strides = array<i32>} : memref<16xi32, #tpu.memory_space<vmem>>, vector<16xi32>,
        "tpu.region"() ({
          %run_scoped3A = tpu.sem_alloc : memref<!tpu.dma_semaphore, #tpu.memory_space<semaphore_mem>>
          tpu.enqueue_dma source(%arg9 : memref<16xi32, #tpu.memory_space<vmem>>) target(%arg4 : memref<16xi32, #tpu.memory_space<hbm>>) target_semaphore(%run_scoped3A : memref<!tpu.dma_semaphore, #tpu.memory_space<semaphore_mem>>)
          tpu.wait_dma2 semaphore(%run_scoped3A : memref<!tpu.dma_semaphore, #tpu.memory_space<semaphore_mem>>) src(%arg9 : memref<16xi32, #tpu.memory_space<vmem>>) dst(%arg4 : memref<16xi32, #tpu.memory_space<hbm>>)
          tpu.yield
        }) : () -> ()
      } else {
      }
    } else {
    }
    return
  }
}

</mosaic_0001>

<sc_bundles>
// kernel: kernel.3.cloned.1.call-start
scs
__scs_entry_jumppad:
0x0: {  	(pc) =	sbr.rel $0x88, $3  }
0x1: {  	(tag) =	ssettag $0x0;
	lr =	simm.s32 $0x1  }
0x2: {  	[smem:$0x3FA0] =	sst lr;
	_ =	strace $0xD0000000  }
0x3: {  	_ = 	snop  }
0x4: {  	_ = 	snop  }
0x5: {  	_ = 	snop  }
0x6: {  	_ = 	snop  }
0x7: {  	_ = 	snop  }
__scs_overlays_trampoline_lowered:
0x8: {  	[smem:$0x3FAF] =	sst s0  }
0x9: {  	[smem:$0x3FB0] =	sst s1  }
0xa: {  	[smem:$0x3FB1] =	sst s2  }
0xb: {  	[smem:$0x3FB2] =	sst s3  }
0xc: {  	[smem:$0x3FB3] =	sst s4  }
0xd: {  	[smem:$0x3FB4] =	sst s5  }
0xe: {  	[smem:$0x3FB5] =	sst s6  }
0xf: {  	[smem:$0x3FB6] =	sst s7  }
0x10: {  	[smem:$0x3FB7] =	sst s8  }
0x11: {  	[smem:$0x3FB8] =	sst s9;
	s0 =	simm.s32 @!p0 $0x0  }
0x12: {  	s1 =	sld [smem:$0x3F9E];
	s0 =	simm.s32 @p0 $0x1  }
0x13: {  	[smem:$0x3FB9] =	sst s0;
	s0 =	simm.s32 @!p1 $0x0  }
0x14: {  	s2 =	sld [smem:$0x3F9D];
	s0 =	simm.s32 @p1 $0x1  }
0x15: {  	[smem:$0x3FBA] =	sst s0;
	s0 =	simm.s32 @!p2 $0x0  }
0x16: {  	s3 =	sld [smem:$0x3FDB];
	s0 =	simm.s32 @p2 $0x1  }
0x17: {  	s4 =	simm.s32 $0x1BF5;
	[smem:$0x3FBC] =	sst s0  }
0x18: {  	s0 =	sld [smem:$0x3F9F];
	_ =	swait.ge [sflag:s4], $0x0  }
0x19: {  	s7 =	sld [smem:$0x3FA0]  }
0x1a: {  	s8 =	sadd.s32 $0xFFFFE003, lr  }
0x1b: {  	s9 =	sadd.s32 $0xFFFFFEF7, lr;
	s5 =	simm.s32 $0xFFFFFFFF;
	p2 =	slt.u32 s8, $0xFFFFF086  }
0x1c: {  	p1 =	slt.u32 s9, $0xF7A;
	s5 =	simm.s32 @!p2 $0x0  }
0x1d: {  	s5 =	simm.s32 @p1 $0x1;
	p0 =	seq.s32 s7, s2  }
0x1e: {  	s7 =	smul.u32 @!p0 $0xF7A, s2;
	p2 =	seq.s32 @!p0 s5, $0x0  }
0x1f: {  	s9 =	smul.u32 $0xF7A, s1;
	s8 =	simm.s32 @!p0 $0x1BF5;
	p2 =	por !p2, p0  }
0x20: {  	[sflag:s8] =	ssyncset.s32 @!p0 $0xFFFFF086;
	s6 =	sadd.s32 @!p0 s3, s7;
	s7 =	simm.s32 @!p0 $0x108  }
0x21: {  	s3 =	sadd.s32 s3, s9;
	s6 =	sadd.s32 @!p0 $0x88, s6;
	s7 =	simm.s32 @p2 $0x1082  }
0x22: {  	[simem:s7], [sflag:s8] =	dma.local @!p0 [hbm:s6], $0xF7A  }
0x23: {  	s9 =	sor.u32 $0xD0000000, s2;
	s6 =	simm.s32 $0x108;
	_ =	swait.ge @!p0 [sflag:s8], $0x0  }
0x24: {  	s3 =	sadd.s32 $0x88, s3;
	s6 =	simm.s32 @!p1 $0x1082;
	[sflag:s4] =	ssyncset.s32 $0xFFFFF086  }
0x25: {  	[simem:s6], [sflag:s4] =	dma.local [hbm:s3], $0xF7A  }
0x26: {  	[smem:$0x3FA0] =	sst s1;
	(tag) =	ssettag s2;
	_ =	strace s9  }
0x27: {  	s1 =	sld [smem:$0x3FB0]  }
0x28: {  	s2 =	sld [smem:$0x3FB1]  }
0x29: {  	s4 =	sld [smem:$0x3FB3]  }
0x2a: {  	p0 =	seq.s32 s5, $0x0;
	s5 =	sld [smem:$0x3FB4]  }
0x2b: {  	s6 =	sld [smem:$0x3FB5]  }
0x2c: {  	s7 =	sld [smem:$0x3FB6]  }
0x2d: {  	s3 =	simm.s32 $0x108;
	s8 =	sld [smem:$0x3FB7]  }
0x2e: {  	s3 =	simm.s32 @!p0 $0x1082;
	s9 =	sld [smem:$0x3FB8]  }
0x2f: {  	lr =	sadd.s32 s0, s3;
	s0 =	sld [smem:$0x3FAF]  }
0x30: {  	s3 =	sld [smem:$0x3FB2]  }
0x31: {  	[smem:$0x3FBB] =	sst s10  }
0x32: {  	s10 =	sld [smem:$0x3FB9];
	_ =	sdelay $0x3  }
0x33: {  	p0 =	seq.s32 s10, $0x1;
	s10 =	sld [smem:$0x3FBB];
	_ =	sdelay $0x3  }
0x34: {  	[smem:$0x3FBB] =	sst s10  }
0x35: {  	s10 =	sld [smem:$0x3FBA];
	_ =	sdelay $0x3  }
0x36: {  	p1 =	seq.s32 s10, $0x1;
	s10 =	sld [smem:$0x3FBB];
	_ =	sdelay $0x3  }
0x37: {  	[smem:$0x3FBB] =	sst s10  }
0x38: {  	s10 =	sld [smem:$0x3FBC]  }
0x39: {  	_ = 	snop;
	(pc) =	sbr.ind lr, $3  }
0x3a: {  	_ = 	snop  }
0x3b: {  	_ = 	snop  }
0x3c: {  	p2 =	seq.s32 s10, $0x1;
	s10 =	sld [smem:$0x3FBB]  }
0x3d: {  	_ =	shalt  }
0x3e: {  	_ =	shalt  }
0x3f: {  	_ =	shalt  }
0x40: {  	_ =	shalt  }
0x41: {  	_ =	shalt  }
0x42: {  	_ =	shalt  }
0x43: {  	_ =	shalt  }
0x44: {  	_ =	shalt  }
0x45: {  	_ =	shalt  }
0x46: {  	_ =	shalt  }
0x47: {  	_ =	shalt  }
0x48: {  	_ =	shalt  }
0x49: {  	_ =	shalt  }
0x4a: {  	_ =	shalt  }
0x4b: {  	_ =	shalt  }
0x4c: {  	_ =	shalt  }
0x4d: {  	_ =	shalt  }
0x4e: {  	_ =	shalt  }
0x4f: {  	_ =	shalt  }
0x50: {  	_ =	shalt  }
0x51: {  	_ =	shalt  }
0x52: {  	_ =	shalt  }
0x53: {  	_ =	shalt  }
0x54: {  	_ =	shalt  }
0x55: {  	_ =	shalt  }
0x56: {  	_ =	shalt  }
0x57: {  	_ =	shalt  }
0x58: {  	_ =	shalt  }
0x59: {  	_ =	shalt  }
0x5a: {  	_ =	shalt  }
0x5b: {  	_ =	shalt  }
0x5c: {  	_ =	shalt  }
0x5d: {  	_ =	shalt  }
0x5e: {  	_ =	shalt  }
0x5f: {  	_ =	shalt  }
0x60: {  	_ =	shalt  }
0x61: {  	_ =	shalt  }
0x62: {  	_ =	shalt  }
0x63: {  	_ =	shalt  }
0x64: {  	_ =	shalt  }
0x65: {  	_ =	shalt  }
0x66: {  	_ =	shalt  }
0x67: {  	_ =	shalt  }
0x68: {  	_ =	shalt  }
0x69: {  	_ =	shalt  }
0x6a: {  	_ =	shalt  }
0x6b: {  	_ =	shalt  }
0x6c: {  	_ =	shalt  }
0x6d: {  	_ =	shalt  }
0x6e: {  	_ =	shalt  }
0x6f: {  	_ =	shalt  }
0x70: {  	_ =	shalt  }
0x71: {  	_ =	shalt  }
0x72: {  	_ =	shalt  }
0x73: {  	_ =	shalt  }
0x74: {  	_ =	shalt  }
0x75: {  	_ =	shalt  }
0x76: {  	_ =	shalt  }
0x77: {  	_ =	shalt  }
0x78: {  	_ =	shalt  }
0x79: {  	_ =	shalt  }
0x7a: {  	_ =	shalt  }
0x7b: {  	_ =	shalt  }
0x7c: {  	_ =	shalt  }
0x7d: {  	_ =	shalt  }
0x7e: {  	_ =	shalt  }
0x7f: {  	_ =	shalt  }
0x80: {  	_ =	shalt  }
0x81: {  	_ =	shalt  }
0x82: {  	_ =	shalt  }
0x83: {  	_ =	shalt  }
0x84: {  	_ =	shalt  }
0x85: {  	_ =	shalt  }
0x86: {  	_ =	shalt  }
0x87: {  	_ =	shalt  }
.Lfunc_end0:
.L_simem_size_0:
called_computation_lowered:
.L_overlay_start_0:
0x88: {  	s2 =	sld [smem:$0x3FD9]  }
0x89: {  	s3 =	sld [smem:$0x3FFE];
	_ =	sdelay $0x1  }
0x8a: {  	s1 =	srdreg.scid  }
0x8b: {  	s0 =	sand.u32 $0x1, s1  }
0x8c: {  	s14 =	sshll.u32 s0, $0xA;
	s2 =	sadd.s32 s3, s2  }
0x8d: {  	s2 =	sadd.s32 s2, s14  }
0x8e: {  	[smem:$0x3FC7] =	sst s2  }
0x8f: {  	_ = 	snop  }
0x90: {  	s2 =	sld [smem:$0x3FD0];
	_ =	sdelay $0x2  }
0x91: {  	s15 =	simm.s32 $0xA;
	s4 =	simm.s32 $0x10  }
0x92: {  	[smem:s4], [sflag:s15] =	dma.local [hbm:s2], $0x1  }
0x93: {  	_ =	swait.eq [sflag:s15], $0x1  }
0x94: {  	[sflag:s15] =	ssyncset.done $0x0  }
0x95: {  	s16 =	sld [smem:$0x10];
	[sflag:s15] =	ssyncadd.s32 $0xFFFFFFFF  }
0x96: {  	s17 =	sld [smem:$0x11];
	(tm) =	ssettm $0x1  }
0x97: {  	s18 =	sld [smem:$0x3FFB];
	_ =	sdelay $0x3  }
0x98: {  	_ =	strace s18  }
0x99: {  	s4 =	sld [smem:$0x3FFC];
	_ =	sdelay $0x3  }
0x9a: {  	_ =	strace s4  }
0x9b: {  	s4 =	sld [smem:$0x3FFD];
	_ =	sdelay $0x3  }
0x9c: {  	_ =	strace s4  }
0x9d: {  	_ =	strace $0x8FFFFFFF  }
0x9e: {  	s19 =	sld [smem:$0x3FDB];
	_ =	sdelay $0x1  }
0x9f: {  	s5 =	simm.s32 $_scs_section_size  }
0xa0: {  	s6 =	simm.s32 $_size__tile_overlayer_lowered;
	s7 =	simm.s32 $_tile_overlayer_lowered  }
0xa1: {  	s22 =	simm.s32 $0x1BFF;
	s21 =	sshll.u32 s7, $0x1;
	s4 =	sadd.s32 s5, s19  }
0xa2: {  	s8 =	simm.s32 $0x0;
	s20 =	sshll.u32 s6, $0x1;
	s6 =	sadd.s32 s21, s4  }
0xa3: {  	[timem:s8], [sflag:s22] =	dma.local [hbm:s6], s20  }
0xa4: {  	_ =	swait.ge [sflag:s22], s20  }
0xa5: {  	s5 =	ssub.s32 $0x0, s20;
	[sflag:s22] =	ssyncset.done $0x0  }
0xa6: {  	[sflag:s22] =	ssyncadd.s32 s5;
	_ =	sdelay $0x1  }
0xa7: {  	s23 =	simm.s32 $0x1B8B  }
0xa8: {  	_ =	swait.ge [sflag:s23], $0x1  }
0xa9: {  	[sflag:s23] =	ssyncset.done $0x0  }
0xaa: {  	s25 =	simm.s32 $0x1B8E;
	s24 =	sld [smem:$0x3FFE];
	[sflag:s23] =	ssyncadd.s32 $0xFFFFFFFF  }
0xab: {  	s26 =	simm.s32 $execute0_lowered;
	[smem:$0x3FD2] =	sst s25  }
0xac: {  	s6 =	sshll.u32 s26, $0x1;
	_ =	strace $0x80000046;
	[dreg:$0x1] =	wrdreg $0xFFFFFFFF  }
0xad: {  	s28 =	simm.s32 $_size_execute0_lowered;
	s4 =	sadd.s32 s4, s6;
	[dreg:$0x0] =	wrdreg $0x0  }
0xae: {  	s6 =	sshll.u32 s28, $0x1;
	[dreg:$0x2] =	wrdreg s4  }
0xaf: {  	[dreg:$0x3] =	wrdreg s6  }
0xb0: {  	[dreg:$0x4] =	wrdreg $0xC0  }
0xb1: {  	_ =	task [dreg:s8], $0x5FFFF  }
0xb2: {  	[dreg:$0x1] =	wrdreg $0xFFFFFFFF  }
0xb3: {  	[dreg:$0x0] =	wrdreg $0x60  }
0xb4: {  	[dreg:$0x2] =	wrdreg s24  }
0xb5: {  	[dreg:$0x3] =	wrdreg s16  }
0xb6: {  	[dreg:$0x4] =	wrdreg s17  }
0xb7: {  	[dreg:$0x5] =	wrdreg $0x64800  }
0xb8: {  	[dreg:$0x6] =	wrdreg $0x9  }
0xb9: {  	_ =	task.clear_ibuf [dreg:s8], $0x7FFFF;
	_ =	strace $0x90000046  }
0xba: {  	s29 =	simm.s32 $0x9;
	_ =	strace $0x80000048  }
0xbb: {  	_ =	swait.ge [sflag:s29], $0x1  }
0xbc: {  	[sflag:s29] =	ssyncadd.s32 $0xFFFFFFFF  }
0xbd: {  	_ =	strace $0x90000048  }
0xbe: {  	_ =	sfence  }
0xbf: {  	s30 =	sld [smem:$0x0];
	_ =	sdelay $0x2  }
0xc0: {  	s31 =	sshll.u32 s1, $0xD;
	s1 =	sshrl.u32 s1, $0x2  }
0xc1: {  	s3 =	sand.u32 $0x4000, s31;
	s1 =	sadd.s32 s1, s30  }
0xc2: {  	s0 =	sor.u32 s3, s0;
	s1 =	sshll.u32 s1, $0x11  }
0xc3: {  	s0 =	sor.u32 s1, s0  }
0xc4: {  	s0 =	sadd.s32 $0x8F2B, s0  }
0xc5: {  	[sflag:s0] =	ssyncadd.remote.s32 $0x1  }
0xc6: {  	_ =	sfence.sel $0xFFFF  }
0xc7: {  	[dreg:$0x0] =	wrdreg $0xFFFFFFFF;
	(pc) =	sbr.abs _section_cstart, $3  }
0xc8: {  	[dreg:$0x1] =	wrdreg $0xFFFFFFFF  }
0xc9: {  	_ =	task.clear_ibuf [dreg:s8], $0x2FFFF;
	_ =	strace $0x9FFFFFFF  }
0xca: {  	(tm) =	ssettm $0x7FFFFFFF  }
0xcb: {  	_ =	shalt  }
tec
execute0_lowered:
.L_overlay_start_1:
0x0: {  	(tag) =	ssettag $0x1  }
0x1: {  	s5 =	rddreg [dreg:$0x0]  }
0x2: {  	s10 =	rddreg [dreg:$0x1]  }
0x3: {  	s1 =	rddreg [dreg:$0x2]  }
0x4: {  	s3 =	rddreg [dreg:$0x3]  }
0x5: {  	s2 =	stileid.u32;
	s0 =	rddreg [dreg:$0x4]  }
0x6: {  	s4 =	simm.s32 $0x0;
	s7 =	srdreg.scid;
	s14 =	simm.s32 $0x3E80  }
0x7: {  	s15 =	simm.s32 $0x4280;
	s16 =	simm.s32 $0x4380;
	s17 =	simm.s32 $0x4300  }
0x8: {  	s18 =	simm.s32 $0x4080;
	s19 =	simm.s32 $0x0;
	s6 =	smul.u32 $0x3A00, s2  }
0x9: {  	[smem:$0x7FF] =	sst s4;
	p0 =	seq.s32 s2, $0x0;
	s12 =	sand.u32 $0x1, s7  }
0xa: {  	s8 =	smul.u32 $0x840, s2;
	s9 =	sshll.u32 s2, $0x9;
	s13 =	sshll.u32 s2, $0x6  }
0xb: {  	p1 =	sne.s32 s2, $0x0;
	s7 =	ssub.s32 $0x2, s12;
	_ =	strace $0x80000047  }
0xc: {  	s10 =	sadd.s32 s10, s13;
	s13 =	simm.s32 $0x3C00;
	s6 =	sadd.s32 $0xFFFFFE30, s6  }
.Ltmp0:
0xd: {  	v6 =	vimm.s32 $0x8;
	s30 =	sshrl.u32 s7, $0x1;
	s6 =	sshrl.u32 s6, $0x3;
	(pc) =	sbr.rel .LBB2_1-.Ltmp0, $4  }
0xe: {  	v0 =	vlaneseq.u32;
	s31 =	sshrl.u32 s8, $0x2;
	s11 =	ssub.s32 s7, s30;
	s6 =	simm.s32 @p0 $0x0  }
0xf: {  	v2 =	vimm.s32 $0x0;
	v5 =	vmul.u32 $0x210, v0;
	s7 =	sadd.s32 s31, s3;
	s6 =	sadd.s32 s6, s5;
	s5 =	simm.s32 $0x0  }
0x10: {  	v3 =	vimm.s32 $0xFFFFFFFF;
	vm0 =	vmxor vm0, vm0;
	v1 =	vmul.u32 $0x1D, v0;
	s8 =	sadd.s32 $0x200, s7;
	s11 =	smax.u32 s11, $0x1;
	s5 =	simm.s32 @!p0 $0x10  }
0x11: {  	vm1 =	vmmov $0x1;
	v4 =	vadd.s32 $0xFFFFFFFF, v0;
	v5 =	vadd.s32 $0x200, v5;
	s6 =	sadd.s32 $0x800, s6;
	p0 =	sne.s32 s12, $0x0;
	s12 =	simm.s32 $0x1  }
.LBB2_9:
0x12: {  	[bflag:$0x0] =	sbarrier.arrive $0xFFFF  }
.LBB2_10:
0x13: {  	s19 =	sadd.s32 $0x1, s19  }
0x14: {  	p2 =	sne.s32 s19, s11  }
.Ltmp1:
0x15: {  	_ = 	snop;
	(pc) =	sbr.rel @!p2 .LBB2_11-.Ltmp1, $1  }
0x16: {  	_ =	sdelay $0x3  }
.LBB2_1:
.Ltmp2:
0x17: {  	(pc) =	sbr.rel @p0 .LBB2_9-.Ltmp2, $1  }
0x18: {  	_ =	sdelay $0x3  }
0x19: {  	s20 =	simm.s32 $0x1  }
0x1a: {  	s21 =	simm.s32 $0x0;
	v7 =	vadd.s32 s20, v1  }
0x1b: {  	[tilespmem:s4], [sflag:$0x1] =	stream.linear.gather [hbm4b:s6+s4], $0x3BD0, $0x38;
	v8 =	vadd.s32 s21, v1;
	[tilespmem:$0x6690] =	vst v63  }
0x1c: {  	s22 =	simm.s32 $0x2;
	_ =	swait.ge [sflag:s12], $0x3BD0  }
0x1d: {  	v9 =	vadd.s32 s22, v1;
	[sflag:s12] =	ssyncset.done $0x0  }
0x1e: {  	s23 =	simm.s32 $0x3;
	[sflag:s12] =	ssyncadd.s32 $0xFFFFC430  }
0x1f: {  	v10 =	vadd.s32 s23, v1;
	v7 =	vld.idx.msk [tilespmem:v7+s4+$0x0], $0xffff  }
0x20: {  	s24 =	simm.s32 $0x4;
	v8 =	vld.idx.msk [tilespmem:v8+s4+$0x0], $0xffff  }
0x21: {  	v11 =	vadd.s32 s24, v1  }
0x22: {  	s25 =	simm.s32 $0x5;
	v9 =	vld.idx.msk [tilespmem:v9+s4+$0x0], $0xffff  }
0x23: {  	v12 =	vadd.s32 s25, v1  }
0x24: {  	s26 =	simm.s32 $0x6;
	v10 =	vld.idx.msk [tilespmem:v10+s4+$0x0], $0xffff  }
0x25: {  	v13 =	vadd.s32 s26, v1;
	vm2 =	vgt.f32 v7, v8  }
0x26: {  	s28 =	simm.s32 $0x7;
	v11 =	vld.idx.msk [tilespmem:v11+s4+$0x0], $0xffff;
	v7 =	vsel vm2, v7, v8  }
0x27: {  	v8 =	vadd.s32 s28, v1;
	vm3 =	vgt.f32 v9, v7  }
0x28: {  	s29 =	simm.s32 $0x8;
	v12 =	vld.idx.msk [tilespmem:v12+s4+$0x0], $0xffff;
	v7 =	vsel vm3, v9, v7  }
0x29: {  	v9 =	vadd.s32 s29, v1;
	vm4 =	vgt.f32 v10, v7  }
0x2a: {  	s30 =	simm.s32 $0x9;
	v13 =	vld.idx.msk [tilespmem:v13+s4+$0x0], $0xffff;
	v7 =	vsel vm4, v10, v7  }
0x2b: {  	v10 =	vadd.s32 s30, v1;
	vm5 =	vgt.f32 v11, v7  }
0x2c: {  	s31 =	simm.s32 $0xA;
	v8 =	vld.idx.msk [tilespmem:v8+s4+$0x0], $0xffff;
	v7 =	vsel vm5, v11, v7  }
0x2d: {  	v11 =	vadd.s32 s31, v1;
	vm6 =	vgt.f32 v12, v7  }
0x2e: {  	s21 =	simm.s32 $0xB;
	v9 =	vld.idx.msk [tilespmem:v9+s4+$0x0], $0xffff;
	v7 =	vsel vm6, v12, v7  }
0x2f: {  	v46 =	vadd.s32 s21, v1;
	vm7 =	vgt.f32 v13, v7  }
0x30: {  	s22 =	simm.s32 $0xC;
	v10 =	vld.idx.msk [tilespmem:v10+s4+$0x0], $0xffff;
	v7 =	vsel vm7, v13, v7  }
0x31: {  	v47 =	vadd.s32 s22, v1;
	vm8 =	vgt.f32 v8, v7  }
0x32: {  	s23 =	simm.s32 $0xD;
	v11 =	vld.idx.msk [tilespmem:v11+s4+$0x0], $0xffff;
	v7 =	vsel vm8, v8, v7  }
0x33: {  	v8 =	vadd.s32 s23, v1;
	vm9 =	vgt.f32 v9, v7  }
0x34: {  	s24 =	simm.s32 $0xE;
	v12 =	vld.idx.msk [tilespmem:v46+s4+$0x0], $0xffff;
	v7 =	vsel vm9, v9, v7  }
0x35: {  	v9 =	vadd.s32 s24, v1;
	vm10 =	vgt.f32 v10, v7  }
0x36: {  	s25 =	simm.s32 $0xF;
	v13 =	vld.idx.msk [tilespmem:v47+s4+$0x0], $0xffff;
	v7 =	vsel vm10, v10, v7  }
0x37: {  	v10 =	vadd.s32 s25, v1;
	vm11 =	vgt.f32 v11, v7  }
0x38: {  	s26 =	simm.s32 $0x10;
	v8 =	vld.idx.msk [tilespmem:v8+s4+$0x0], $0xffff;
	v7 =	vsel vm11, v11, v7  }
0x39: {  	v11 =	vadd.s32 s26, v1;
	vm12 =	vgt.f32 v12, v7  }
0x3a: {  	s28 =	simm.s32 $0x11;
	v9 =	vld.idx.msk [tilespmem:v9+s4+$0x0], $0xffff;
	v7 =	vsel vm12, v12, v7  }
0x3b: {  	v48 =	vadd.s32 s28, v1;
	vm13 =	vgt.f32 v13, v7  }
0x3c: {  	s29 =	simm.s32 $0x12;
	v10 =	vld.idx.msk [tilespmem:v10+s4+$0x0], $0xffff;
	v7 =	vsel vm13, v13, v7  }
0x3d: {  	v49 =	vadd.s32 s29, v1;
	vm14 =	vgt.f32 v8, v7  }
0x3e: {  	s30 =	simm.s32 $0x13;
	v11 =	vld.idx.msk [tilespmem:v11+s4+$0x0], $0xffff;
	v7 =	vsel vm14, v8, v7  }
0x3f: {  	v8 =	vadd.s32 s30, v1;
	vm15 =	vgt.f32 v9, v7  }
0x40: {  	s31 =	simm.s32 $0x14;
	v12 =	vld.idx.msk [tilespmem:v48+s4+$0x0], $0xffff;
	v7 =	vsel vm15, v9, v7  }
0x41: {  	v14 =	vsel vm2, $0x1, v2;
	v9 =	vadd.s32 s31, v1;
	vm2 =	vgt.f32 v10, v7  }
0x42: {  	s21 =	simm.s32 $0x15;
	v14 =	vsel vm3, $0x2, v14;
	v13 =	vld.idx.msk [tilespmem:v49+s4+$0x0], $0xffff;
	v7 =	vsel vm2, v10, v7  }
0x43: {  	v14 =	vsel vm4, $0x3, v14;
	v10 =	vadd.s32 s21, v1;
	vm3 =	vgt.f32 v11, v7  }
0x44: {  	s22 =	simm.s32 $0x16;
	v14 =	vsel vm5, $0x4, v14;
	v8 =	vld.idx.msk [tilespmem:v8+s4+$0x0], $0xffff;
	v7 =	vsel vm3, v11, v7  }
0x45: {  	v14 =	vsel vm6, $0x5, v14;
	v11 =	vadd.s32 s22, v1;
	vm4 =	vgt.f32 v12, v7  }
0x46: {  	v14 =	vsel vm7, $0x6, v14;
	s23 =	simm.s32 $0x17;
	v9 =	vld.idx.msk [tilespmem:v9+s4+$0x0], $0xffff;
	v7 =	vsel vm4, v12, v7  }
0x47: {  	v14 =	vsel vm8, $0x7, v14;
	v50 =	vadd.s32 s23, v1;
	vm5 =	vgt.f32 v13, v7  }
0x48: {  	s24 =	simm.s32 $0x18;
	v14 =	vsel vm9, $0x8, v14;
	v10 =	vld.idx.msk [tilespmem:v10+s4+$0x0], $0xffff;
	v7 =	vsel vm5, v13, v7  }
0x49: {  	v51 =	vadd.s32 s24, v1;
	v14 =	vsel vm10, $0x9, v14;
	vm6 =	vgt.f32 v8, v7  }
0x4a: {  	s25 =	simm.s32 $0x19;
	v14 =	vsel vm11, $0xA, v14;
	v11 =	vld.idx.msk [tilespmem:v11+s4+$0x0], $0xffff;
	v7 =	vsel vm6, v8, v7  }
0x4b: {  	v14 =	vsel vm12, $0xB, v14;
	v8 =	vadd.s32 s25, v1;
	vm12 =	vgt.f32 v9, v7  }
0x4c: {  	s26 =	simm.s32 $0x1A;
	v14 =	vsel vm13, $0xC, v14;
	v12 =	vld.idx.msk [tilespmem:v50+s4+$0x0], $0xffff;
	v7 =	vsel vm12, v9, v7  }
0x4d: {  	v14 =	vsel vm14, $0xD, v14;
	v9 =	vadd.s32 s26, v1;
	vm14 =	vgt.f32 v10, v7  }
0x4e: {  	s28 =	simm.s32 $0x1B;
	v14 =	vsel vm15, $0xE, v14;
	v13 =	vld.idx.msk [tilespmem:v51+s4+$0x0], $0xffff;
	v7 =	vsel vm14, v10, v7  }
0x4f: {  	v14 =	vsel vm2, $0xF, v14;
	v10 =	vadd.s32 s28, v1;
	vm2 =	vgt.f32 v11, v7  }
0x50: {  	s29 =	simm.s32 $0x1C;
	v14 =	vsel vm3, $0x10, v14;
	v8 =	vld.idx.msk [tilespmem:v8+s4+$0x0], $0xffff;
	v7 =	vsel vm2, v11, v7  }
0x51: {  	v14 =	vsel vm4, $0x11, v14;
	v11 =	vadd.s32 s29, v1;
	vm3 =	vgt.f32 v12, v7  }
0x52: {  	v14 =	vsel vm5, $0x12, v14;
	v9 =	vld.idx.msk [tilespmem:v9+s4+$0x0], $0xffff;
	v7 =	vsel vm3, v12, v7  }
0x53: {  	v52 =	vsel vm6, $0x13, v14;
	vm4 =	vgt.f32 v13, v7  }
0x54: {  	v12 =	vsel vm12, $0x14, v52;
	v10 =	vld.idx.msk [tilespmem:v10+s4+$0x0], $0xffff;
	v7 =	vsel vm4, v13, v7  }
0x55: {  	v12 =	vsel vm14, $0x15, v12;
	vm5 =	vgt.f32 v8, v7  }
0x56: {  	v12 =	vsel vm2, $0x16, v12;
	v11 =	vld.idx.msk [tilespmem:v11+s4+$0x0], $0xffff;
	v7 =	vsel vm5, v8, v7  }
0x57: {  	v8 =	vsel vm3, $0x17, v12;
	vm2 =	vgt.f32 v9, v7  }
0x58: {  	s30 =	simm.s32 $0x1D1;
	v8 =	vsel vm4, $0x18, v8;
	v7 =	vsel vm2, v9, v7  }
0x59: {  	s31 =	simm.s32 $0x1D0;
	v9 =	vadd.s32 s30, v1;
	v8 =	vsel vm5, $0x19, v8;
	vm3 =	vgt.f32 v10, v7  }
0x5a: {  	v53 =	vadd.s32 s31, v1;
	v8 =	vsel vm2, $0x1A, v8;
	v7 =	vsel vm3, v10, v7  }
0x5b: {  	s22 =	simm.s32 $0x1D2;
	v8 =	vsel vm3, $0x1B, v8;
	vm2 =	vgt.f32 v11, v7  }
0x5c: {  	s20 =	simm.s32 $0x3C00;
	v7 =	vadd.s32 s22, v1;
	v8 =	vsel vm2, $0x1C, v8  }
0x5d: {  	s23 =	simm.s32 $0x1D3;
	[tilespmem:s20+$0x0] =	vst v8  }
0x5e: {  	v8 =	vld.idx.msk [tilespmem:v9+s4+$0x0], $0xffff;
	v9 =	vadd.s32 s23, v1  }
0x5f: {  	s24 =	simm.s32 $0x1D4;
	v10 =	vld.idx.msk [tilespmem:v53+s4+$0x0], $0xffff  }
0x60: {  	v11 =	vadd.s32 s24, v1  }
0x61: {  	s25 =	simm.s32 $0x1D5;
	v7 =	vld.idx.msk [tilespmem:v7+s4+$0x0], $0xffff  }
0x62: {  	v54 =	vadd.s32 s25, v1  }
0x63: {  	s26 =	simm.s32 $0x1D6;
	v9 =	vld.idx.msk [tilespmem:v9+s4+$0x0], $0xffff  }
0x64: {  	v55 =	vadd.s32 s26, v1;
	vm2 =	vgt.f32 v8, v10  }
0x65: {  	s28 =	simm.s32 $0x1D7;
	v11 =	vld.idx.msk [tilespmem:v11+s4+$0x0], $0xffff;
	v8 =	vsel vm2, v8, v10  }
0x66: {  	v10 =	vadd.s32 s28, v1;
	vm3 =	vgt.f32 v7, v8  }
0x67: {  	s29 =	simm.s32 $0x1D8;
	v12 =	vld.idx.msk [tilespmem:v54+s4+$0x0], $0xffff;
	v7 =	vsel vm3, v7, v8  }
0x68: {  	v8 =	vadd.s32 s29, v1;
	vm4 =	vgt.f32 v9, v7  }
0x69: {  	s30 =	simm.s32 $0x1D9;
	v13 =	vld.idx.msk [tilespmem:v55+s4+$0x0], $0xffff;
	v7 =	vsel vm4, v9, v7  }
0x6a: {  	v9 =	vadd.s32 s30, v1;
	vm5 =	vgt.f32 v11, v7  }
0x6b: {  	s31 =	simm.s32 $0x1DA;
	v10 =	vld.idx.msk [tilespmem:v10+s4+$0x0], $0xffff;
	v7 =	vsel vm5, v11, v7  }
0x6c: {  	v11 =	vadd.s32 s31, v1;
	vm6 =	vgt.f32 v12, v7  }
0x6d: {  	s22 =	simm.s32 $0x1DB;
	v8 =	vld.idx.msk [tilespmem:v8+s4+$0x0], $0xffff;
	v7 =	vsel vm6, v12, v7  }
0x6e: {  	v56 =	vadd.s32 s22, v1;
	vm7 =	vgt.f32 v13, v7  }
0x6f: {  	s23 =	simm.s32 $0x1DC;
	v9 =	vld.idx.msk [tilespmem:v9+s4+$0x0], $0xffff;
	v7 =	vsel vm7, v13, v7  }
0x70: {  	v57 =	vadd.s32 s23, v1;
	vm8 =	vgt.f32 v10, v7  }
0x71: {  	s24 =	simm.s32 $0x1DD;
	v11 =	vld.idx.msk [tilespmem:v11+s4+$0x0], $0xffff;
	v7 =	vsel vm8, v10, v7  }
0x72: {  	v10 =	vadd.s32 s24, v1;
	vm9 =	vgt.f32 v8, v7  }
0x73: {  	s25 =	simm.s32 $0x1DE;
	v12 =	vld.idx.msk [tilespmem:v56+s4+$0x0], $0xffff;
	v7 =	vsel vm9, v8, v7  }
0x74: {  	v8 =	vadd.s32 s25, v1;
	vm10 =	vgt.f32 v9, v7  }
0x75: {  	s26 =	simm.s32 $0x1DF;
	v13 =	vld.idx.msk [tilespmem:v57+s4+$0x0], $0xffff;
	v7 =	vsel vm10, v9, v7  }
0x76: {  	v9 =	vadd.s32 s26, v1;
	vm11 =	vgt.f32 v11, v7  }
0x77: {  	s28 =	simm.s32 $0x1E0;
	v10 =	vld.idx.msk [tilespmem:v10+s4+$0x0], $0xffff;
	v7 =	vsel vm11, v11, v7  }
0x78: {  	v11 =	vadd.s32 s28, v1;
	vm12 =	vgt.f32 v12, v7  }
0x79: {  	s29 =	simm.s32 $0x1E1;
	v8 =	vld.idx.msk [tilespmem:v8+s4+$0x0], $0xffff;
	v7 =	vsel vm12, v12, v7  }
0x7a: {  	v58 =	vadd.s32 s29, v1;
	vm13 =	vgt.f32 v13, v7  }
0x7b: {  	s30 =	simm.s32 $0x1E2;
	v9 =	vld.idx.msk [tilespmem:v9+s4+$0x0], $0xffff;
	v7 =	vsel vm13, v13, v7  }
0x7c: {  	v59 =	vadd.s32 s30, v1;
	vm14 =	vgt.f32 v10, v7  }
0x7d: {  	s31 =	simm.s32 $0x1E3;
	v11 =	vld.idx.msk [tilespmem:v11+s4+$0x0], $0xffff;
	v7 =	vsel vm14, v10, v7  }
0x7e: {  	v10 =	vadd.s32 s31, v1;
	vm15 =	vgt.f32 v8, v7  }
0x7f: {  	s22 =	simm.s32 $0x1E4;
	v12 =	vld.idx.msk [tilespmem:v58+s4+$0x0], $0xffff;
	v7 =	vsel vm15, v8, v7  }
0x80: {  	v60 =	vsel vm2, $0x1, v2;
	v8 =	vadd.s32 s22, v1;
	vm2 =	vgt.f32 v9, v7  }
0x81: {  	s23 =	simm.s32 $0x1E5;
	v14 =	vsel vm3, $0x2, v60;
	v13 =	vld.idx.msk [tilespmem:v59+s4+$0x0], $0xffff;
	v7 =	vsel vm2, v9, v7  }
0x82: {  	v14 =	vsel vm4, $0x3, v14;
	v9 =	vadd.s32 s23, v1;
	vm3 =	vgt.f32 v11, v7  }
0x83: {  	v14 =	vsel vm5, $0x4, v14;
	s24 =	simm.s32 $0x1E6;
	v10 =	vld.idx.msk [tilespmem:v10+s4+$0x0], $0xffff;
	v7 =	vsel vm3, v11, v7  }
0x84: {  	v14 =	vsel vm6, $0x5, v14;
	v11 =	vadd.s32 s24, v1;
	vm4 =	vgt.f32 v12, v7  }
0x85: {  	v14 =	vsel vm7, $0x6, v14;
	s25 =	simm.s32 $0x1E7;
	v8 =	vld.idx.msk [tilespmem:v8+s4+$0x0], $0xffff;
	v7 =	vsel vm4, v12, v7  }
0x86: {  	v14 =	vsel vm8, $0x7, v14;
	v61 =	vadd.s32 s25, v1;
	vm5 =	vgt.f32 v13, v7  }
0x87: {  	v14 =	vsel vm9, $0x8, v14;
	s26 =	simm.s32 $0x1E8;
	v9 =	vld.idx.msk [tilespmem:v9+s4+$0x0], $0xffff;
	v7 =	vsel vm5, v13, v7  }
0x88: {  	v14 =	vsel vm10, $0x9, v14;
	v62 =	vadd.s32 s26, v1;
	vm6 =	vgt.f32 v10, v7  }
0x89: {  	s28 =	simm.s32 $0x1E9;
	v14 =	vsel vm11, $0xA, v14;
	v11 =	vld.idx.msk [tilespmem:v11+s4+$0x0], $0xffff;
	v7 =	vsel vm6, v10, v7  }
0x8a: {  	v14 =	vsel vm12, $0xB, v14;
	v10 =	vadd.s32 s28, v1;
	vm12 =	vgt.f32 v8, v7  }
0x8b: {  	s29 =	simm.s32 $0x1EA;
	v14 =	vsel vm13, $0xC, v14;
	v12 =	vld.idx.msk [tilespmem:v61+s4+$0x0], $0xffff;
	v7 =	vsel vm12, v8, v7  }
0x8c: {  	v14 =	vsel vm14, $0xD, v14;
	v8 =	vadd.s32 s29, v1;
	vm14 =	vgt.f32 v9, v7  }
0x8d: {  	s30 =	simm.s32 $0x1EB;
	v14 =	vsel vm15, $0xE, v14;
	v13 =	vld.idx.msk [tilespmem:v62+s4+$0x0], $0xffff;
	v7 =	vsel vm14, v9, v7  }
0x8e: {  	v14 =	vsel vm2, $0xF, v14;
	v9 =	vadd.s32 s30, v1;
	vm2 =	vgt.f32 v11, v7  }
0x8f: {  	v14 =	vsel vm3, $0x10, v14;
	v10 =	vld.idx.msk [tilespmem:v10+s4+$0x0], $0xffff;
	v7 =	vsel vm2, v11, v7  }
0x90: {  	v11 =	vsel vm4, $0x11, v14;
	vm3 =	vgt.f32 v12, v7  }
0x91: {  	s31 =	simm.s32 $0x1EC;
	v8 =	vld.idx.msk [tilespmem:v8+s4+$0x0], $0xffff;
	v11 =	vsel vm5, $0x12, v11;
	v12 =	vsel vm3, v12, v7  }
0x92: {  	v63 =	vadd.s32 s31, v1;
	v11 =	vsel vm6, $0x13, v11;
	vm4 =	vgt.f32 v13, v12  }
0x93: {  	v7 =	vld.idx.msk [tilespmem:v9+s4+$0x0], $0xffff;
	v9 =	vsel vm12, $0x14, v11;
	v11 =	vsel vm4, v13, v12  }
0x94: {  	vm5 =	vgt.f32 v10, v11  }
0x95: {  	v9 =	vsel vm14, $0x15, v9;
	v10 =	vsel vm5, v10, v11  }
0x96: {  	v9 =	vsel vm2, $0x16, v9;
	vm2 =	vgt.f32 v8, v10  }
0x97: {  	v10 =	vsel vm2, v8, v10;
	v8 =	vld.idx.msk [tilespmem:v63+s4+$0x0], $0xffff  }
0x98: {  	v9 =	vsel vm3, $0x17, v9  }
0x99: {  	s22 =	simm.s32 $0x3A1;
	v11 =	vsel vm4, $0x18, v9  }
0x9a: {  	s21 =	simm.s32 $0x3BC;
	s23 =	simm.s32 $0x3A0;
	v9 =	vadd.s32 s22, v1;
	s22 =	simm.s32 $0x58C;
	v11 =	vsel vm5, $0x19, v11;
	vm3 =	vgt.f32 v7, v10  }
.LBB2_3:
0x9b: {  	p2 =	sne.s32 s22, $0x3A1C;
	v12 =	vadd.s32 s23, v1;
	v11 =	vsel vm2, $0x1A, v11;
	v7 =	vsel vm3, v7, v10  }
0x9c: {  	s23 =	sadd.s32 $0xFFFFFFE6, s21;
	v10 =	vsel vm3, $0x1B, v11;
	vm2 =	vgt.f32 v8, v7  }
0x9d: {  	s20 =	sadd.s32 $0x10, s20;
	v7 =	vadd.s32 s23, v1;
	v8 =	vsel vm2, $0x1C, v10  }
0x9e: {  	s23 =	sadd.s32 $0xFFFFFFE7, s21;
	[tilespmem:s20+$0x0] =	vst v8  }
0x9f: {  	v8 =	vld.idx.msk [tilespmem:v9+s4+$0x0], $0xffff;
	v9 =	vadd.s32 s23, v1  }
0xa0: {  	s23 =	sadd.s32 $0xFFFFFFE8, s21;
	v10 =	vld.idx.msk [tilespmem:v12+s4+$0x0], $0xffff  }
0xa1: {  	v11 =	vadd.s32 s23, v1  }
0xa2: {  	s23 =	sadd.s32 $0xFFFFFFE9, s21;
	v7 =	vld.idx.msk [tilespmem:v7+s4+$0x0], $0xffff  }
0xa3: {  	v12 =	vadd.s32 s23, v1  }
0xa4: {  	s23 =	sadd.s32 $0xFFFFFFEA, s21;
	v9 =	vld.idx.msk [tilespmem:v9+s4+$0x0], $0xffff  }
0xa5: {  	v13 =	vadd.s32 s23, v1  }
0xa6: {  	s23 =	sadd.s32 $0xFFFFFFEB, s21;
	vm2 =	vgt.f32 v8, v10;
	v11 =	vld.idx.msk [tilespmem:v11+s4+$0x0], $0xffff  }
0xa7: {  	v8 =	vsel vm2, v8, v10;
	v10 =	vadd.s32 s23, v1  }
0xa8: {  	s23 =	sadd.s32 $0xFFFFFFEC, s21;
	vm3 =	vgt.f32 v7, v8;
	v12 =	vld.idx.msk [tilespmem:v12+s4+$0x0], $0xffff  }
0xa9: {  	v7 =	vsel vm3, v7, v8;
	v8 =	vadd.s32 s23, v1  }
0xaa: {  	s23 =	sadd.s32 $0xFFFFFFED, s21;
	vm4 =	vgt.f32 v9, v7;
	v13 =	vld.idx.msk [tilespmem:v13+s4+$0x0], $0xffff  }
0xab: {  	v7 =	vsel vm4, v9, v7;
	v9 =	vadd.s32 s23, v1  }
0xac: {  	s23 =	sadd.s32 $0xFFFFFFEE, s21;
	vm5 =	vgt.f32 v11, v7;
	v10 =	vld.idx.msk [tilespmem:v10+s4+$0x0], $0xffff  }
0xad: {  	v7 =	vsel vm5, v11, v7;
	v11 =	vadd.s32 s23, v1  }
0xae: {  	s23 =	sadd.s32 $0xFFFFFFEF, s21;
	vm6 =	vgt.f32 v12, v7;
	v8 =	vld.idx.msk [tilespmem:v8+s4+$0x0], $0xffff  }
0xaf: {  	v7 =	vsel vm6, v12, v7;
	v12 =	vadd.s32 s23, v1  }
0xb0: {  	s23 =	sadd.s32 $0xFFFFFFF0, s21;
	vm7 =	vgt.f32 v13, v7;
	v9 =	vld.idx.msk [tilespmem:v9+s4+$0x0], $0xffff  }
0xb1: {  	v7 =	vsel vm7, v13, v7;
	v13 =	vadd.s32 s23, v1  }
0xb2: {  	s23 =	sadd.s32 $0xFFFFFFF1, s21;
	vm8 =	vgt.f32 v10, v7;
	v11 =	vld.idx.msk [tilespmem:v11+s4+$0x0], $0xffff  }
0xb3: {  	v7 =	vsel vm8, v10, v7;
	v10 =	vadd.s32 s23, v1  }
0xb4: {  	s23 =	sadd.s32 $0xFFFFFFF2, s21;
	vm9 =	vgt.f32 v8, v7;
	v12 =	vld.idx.msk [tilespmem:v12+s4+$0x0], $0xffff  }
0xb5: {  	v7 =	vsel vm9, v8, v7;
	v8 =	vadd.s32 s23, v1  }
0xb6: {  	s23 =	sadd.s32 $0xFFFFFFF3, s21;
	vm10 =	vgt.f32 v9, v7;
	v13 =	vld.idx.msk [tilespmem:v13+s4+$0x0], $0xffff  }
0xb7: {  	v7 =	vsel vm10, v9, v7;
	v9 =	vadd.s32 s23, v1  }
0xb8: {  	s23 =	sadd.s32 $0xFFFFFFF4, s21;
	vm11 =	vgt.f32 v11, v7;
	v10 =	vld.idx.msk [tilespmem:v10+s4+$0x0], $0xffff  }
0xb9: {  	v7 =	vsel vm11, v11, v7;
	v11 =	vadd.s32 s23, v1  }
0xba: {  	s23 =	sadd.s32 $0xFFFFFFF5, s21;
	vm12 =	vgt.f32 v12, v7;
	v8 =	vld.idx.msk [tilespmem:v8+s4+$0x0], $0xffff  }
0xbb: {  	v7 =	vsel vm12, v12, v7;
	v12 =	vadd.s32 s23, v1  }
0xbc: {  	s23 =	sadd.s32 $0xFFFFFFF6, s21;
	vm13 =	vgt.f32 v13, v7;
	v9 =	vld.idx.msk [tilespmem:v9+s4+$0x0], $0xffff  }
0xbd: {  	v7 =	vsel vm13, v13, v7;
	v13 =	vadd.s32 s23, v1  }
0xbe: {  	s23 =	sadd.s32 $0xFFFFFFF7, s21;
	vm14 =	vgt.f32 v10, v7;
	v11 =	vld.idx.msk [tilespmem:v11+s4+$0x0], $0xffff  }
0xbf: {  	v7 =	vsel vm14, v10, v7;
	v10 =	vadd.s32 s23, v1  }
0xc0: {  	s23 =	sadd.s32 $0xFFFFFFF8, s21;
	vm15 =	vgt.f32 v8, v7;
	v12 =	vld.idx.msk [tilespmem:v12+s4+$0x0], $0xffff  }
0xc1: {  	v7 =	vsel vm15, v8, v7;
	v8 =	vadd.s32 s23, v1  }
0xc2: {  	v14 =	vsel vm2, $0x1, v2;
	s23 =	sadd.s32 $0xFFFFFFF9, s21;
	vm2 =	vgt.f32 v9, v7;
	v13 =	vld.idx.msk [tilespmem:v13+s4+$0x0], $0xffff  }
0xc3: {  	v14 =	vsel vm3, $0x2, v14;
	v7 =	vsel vm2, v9, v7;
	v9 =	vadd.s32 s23, v1  }
0xc4: {  	v14 =	vsel vm4, $0x3, v14;
	s23 =	sadd.s32 $0xFFFFFFFA, s21;
	vm3 =	vgt.f32 v11, v7;
	v10 =	vld.idx.msk [tilespmem:v10+s4+$0x0], $0xffff  }
0xc5: {  	v14 =	vsel vm5, $0x4, v14;
	v7 =	vsel vm3, v11, v7;
	v11 =	vadd.s32 s23, v1  }
0xc6: {  	v14 =	vsel vm6, $0x5, v14;
	s23 =	sadd.s32 $0xFFFFFFFB, s21;
	vm4 =	vgt.f32 v12, v7;
	v8 =	vld.idx.msk [tilespmem:v8+s4+$0x0], $0xffff  }
0xc7: {  	v14 =	vsel vm7, $0x6, v14;
	v7 =	vsel vm4, v12, v7;
	v12 =	vadd.s32 s23, v1  }
0xc8: {  	v14 =	vsel vm8, $0x7, v14;
	s23 =	sadd.s32 $0xFFFFFFFC, s21;
	vm5 =	vgt.f32 v13, v7;
	v9 =	vld.idx.msk [tilespmem:v9+s4+$0x0], $0xffff  }
0xc9: {  	v14 =	vsel vm9, $0x8, v14;
	v7 =	vsel vm5, v13, v7;
	v13 =	vadd.s32 s23, v1  }
0xca: {  	v14 =	vsel vm10, $0x9, v14;
	s23 =	sadd.s32 $0xFFFFFFFD, s21;
	vm6 =	vgt.f32 v10, v7;
	v11 =	vld.idx.msk [tilespmem:v11+s4+$0x0], $0xffff  }
0xcb: {  	v14 =	vsel vm11, $0xA, v14;
	v7 =	vsel vm6, v10, v7;
	v10 =	vadd.s32 s23, v1  }
0xcc: {  	v14 =	vsel vm12, $0xB, v14;
	s23 =	sadd.s32 $0xFFFFFFFE, s21;
	vm7 =	vgt.f32 v8, v7;
	v12 =	vld.idx.msk [tilespmem:v12+s4+$0x0], $0xffff  }
0xcd: {  	v14 =	vsel vm13, $0xC, v14;
	v7 =	vsel vm7, v8, v7;
	v8 =	vadd.s32 s23, v1  }
0xce: {  	v14 =	vsel vm14, $0xD, v14;
	s23 =	sadd.s32 $0xFFFFFFFF, s21;
	vm8 =	vgt.f32 v9, v7;
	v13 =	vld.idx.msk [tilespmem:v13+s4+$0x0], $0xffff  }
0xcf: {  	v14 =	vsel vm15, $0xE, v14;
	v7 =	vsel vm8, v9, v7;
	v9 =	vadd.s32 s23, v1  }
0xd0: {  	v14 =	vsel vm2, $0xF, v14;
	vm2 =	vgt.f32 v11, v7;
	v10 =	vld.idx.msk [tilespmem:v10+s4+$0x0], $0xffff  }
0xd1: {  	v14 =	vsel vm3, $0x10, v14;
	v7 =	vsel vm2, v11, v7;
	v11 =	vadd.s32 s21, v1;
	s21 =	smov.u32 s22  }
0xd2: {  	v14 =	vsel vm4, $0x11, v14;
	vm3 =	vgt.f32 v12, v7;
	v15 =	vld.idx.msk [tilespmem:v8+s4+$0x0], $0xffff  }
0xd3: {  	v8 =	vsel vm5, $0x12, v14;
	v12 =	vsel vm3, v12, v7  }
0xd4: {  	v8 =	vsel vm6, $0x13, v8;
	vm4 =	vgt.f32 v13, v12;
	v7 =	vld.idx.msk [tilespmem:v9+s4+$0x0], $0xffff  }
0xd5: {  	v8 =	vsel vm7, $0x14, v8;
	v9 =	vsel vm4, v13, v12  }
.Ltmp3:
0xd6: {  	v12 =	vsel vm8, $0x15, v8;
	vm5 =	vgt.f32 v10, v9;
	v8 =	vld.idx.msk [tilespmem:v11+s4+$0x0], $0xffff;
	(pc) =	sbr.rel @p2 .LBB2_3-.Ltmp3, $4  }
0xd7: {  	v11 =	vsel vm2, $0x16, v12;
	v9 =	vsel vm5, v10, v9  }
0xd8: {  	v10 =	vsel vm3, $0x17, v11;
	vm2 =	vgt.f32 v15, v9  }
0xd9: {  	s24 =	sadd.s32 $0xFFFFFFE5, s22;
	v11 =	vsel vm4, $0x18, v10;
	v10 =	vsel vm2, v15, v9  }
0xda: {  	s22 =	sadd.s32 $0x1D0, s22;
	s23 =	sadd.s32 $0xFFFFFFE4, s21;
	v9 =	vadd.s32 s24, v1;
	v11 =	vsel vm5, $0x19, v11;
	vm3 =	vgt.f32 v7, v10  }
0xdb: {  	v12 =	vadd.s32 s23, v1;
	v11 =	vsel vm2, $0x1A, v11;
	v7 =	vsel vm3, v7, v10  }
0xdc: {  	s22 =	sadd.s32 $0xFFFFFFE6, s21;
	v10 =	vsel vm3, $0x1B, v11;
	vm2 =	vgt.f32 v8, v7  }
0xdd: {  	s20 =	sadd.s32 $0x10, s20;
	v7 =	vadd.s32 s22, v1;
	v8 =	vsel vm2, $0x1C, v10  }
0xde: {  	s30 =	sadd.s32 $0xFFFFFFE7, s21;
	[tilespmem:s20+$0x0] =	vst v8  }
0xdf: {  	v8 =	vld.idx.msk [tilespmem:v9+s4+$0x0], $0xffff;
	v9 =	vadd.s32 s30, v1  }
0xe0: {  	s31 =	sadd.s32 $0xFFFFFFE8, s21;
	v10 =	vld.idx.msk [tilespmem:v12+s4+$0x0], $0xffff  }
0xe1: {  	v11 =	vadd.s32 s31, v1  }
0xe2: {  	s23 =	sadd.s32 $0xFFFFFFE9, s21;
	v7 =	vld.idx.msk [tilespmem:v7+s4+$0x0], $0xffff  }
0xe3: {  	v56 =	vadd.s32 s23, v1  }
0xe4: {  	s24 =	sadd.s32 $0xFFFFFFEA, s21;
	v9 =	vld.idx.msk [tilespmem:v9+s4+$0x0], $0xffff  }
0xe5: {  	v13 =	vadd.s32 s24, v1;
	vm2 =	vgt.f32 v8, v10  }
0xe6: {  	s25 =	sadd.s32 $0xFFFFFFEB, s21;
	v11 =	vld.idx.msk [tilespmem:v11+s4+$0x0], $0xffff;
	v8 =	vsel vm2, v8, v10  }
0xe7: {  	v10 =	vadd.s32 s25, v1;
	vm3 =	vgt.f32 v7, v8  }
0xe8: {  	s26 =	sadd.s32 $0xFFFFFFEC, s21;
	v12 =	vld.idx.msk [tilespmem:v56+s4+$0x0], $0xffff;
	v7 =	vsel vm3, v7, v8  }
0xe9: {  	v8 =	vadd.s32 s26, v1;
	vm4 =	vgt.f32 v9, v7  }
0xea: {  	s28 =	sadd.s32 $0xFFFFFFED, s21;
	v13 =	vld.idx.msk [tilespmem:v13+s4+$0x0], $0xffff;
	v7 =	vsel vm4, v9, v7  }
0xeb: {  	v9 =	vadd.s32 s28, v1;
	vm5 =	vgt.f32 v11, v7  }
0xec: {  	s29 =	sadd.s32 $0xFFFFFFEE, s21;
	v10 =	vld.idx.msk [tilespmem:v10+s4+$0x0], $0xffff;
	v7 =	vsel vm5, v11, v7  }
0xed: {  	v11 =	vadd.s32 s29, v1;
	vm6 =	vgt.f32 v12, v7  }
0xee: {  	s30 =	sadd.s32 $0xFFFFFFEF, s21;
	v8 =	vld.idx.msk [tilespmem:v8+s4+$0x0], $0xffff;
	v7 =	vsel vm6, v12, v7  }
0xef: {  	v57 =	vadd.s32 s30, v1;
	vm7 =	vgt.f32 v13, v7  }
0xf0: {  	s31 =	sadd.s32 $0xFFFFFFF0, s21;
	v9 =	vld.idx.msk [tilespmem:v9+s4+$0x0], $0xffff;
	v7 =	vsel vm7, v13, v7  }
0xf1: {  	v58 =	vadd.s32 s31, v1;
	vm8 =	vgt.f32 v10, v7  }
0xf2: {  	s23 =	sadd.s32 $0xFFFFFFF1, s21;
	v11 =	vld.idx.msk [tilespmem:v11+s4+$0x0], $0xffff;
	v7 =	vsel vm8, v10, v7  }
0xf3: {  	v10 =	vadd.s32 s23, v1;
	vm9 =	vgt.f32 v8, v7  }
0xf4: {  	s24 =	sadd.s32 $0xFFFFFFF2, s21;
	v12 =	vld.idx.msk [tilespmem:v57+s4+$0x0], $0xffff;
	v7 =	vsel vm9, v8, v7  }
0xf5: {  	v8 =	vadd.s32 s24, v1;
	vm10 =	vgt.f32 v9, v7  }
0xf6: {  	s25 =	sadd.s32 $0xFFFFFFF3, s21;
	v13 =	vld.idx.msk [tilespmem:v58+s4+$0x0], $0xffff;
	v7 =	vsel vm10, v9, v7  }
0xf7: {  	v9 =	vadd.s32 s25, v1;
	vm11 =	vgt.f32 v11, v7  }
0xf8: {  	s26 =	sadd.s32 $0xFFFFFFF4, s21;
	v10 =	vld.idx.msk [tilespmem:v10+s4+$0x0], $0xffff;
	v7 =	vsel vm11, v11, v7  }
0xf9: {  	v11 =	vadd.s32 s26, v1;
	vm12 =	vgt.f32 v12, v7  }
0xfa: {  	s28 =	sadd.s32 $0xFFFFFFF5, s21;
	v8 =	vld.idx.msk [tilespmem:v8+s4+$0x0], $0xffff;
	v7 =	vsel vm12, v12, v7  }
0xfb: {  	v59 =	vadd.s32 s28, v1;
	vm13 =	vgt.f32 v13, v7  }
0xfc: {  	s29 =	sadd.s32 $0xFFFFFFF6, s21;
	v9 =	vld.idx.msk [tilespmem:v9+s4+$0x0], $0xffff;
	v7 =	vsel vm13, v13, v7  }
0xfd: {  	v60 =	vadd.s32 s29, v1;
	vm14 =	vgt.f32 v10, v7  }
0xfe: {  	s30 =	sadd.s32 $0xFFFFFFF7, s21;
	v11 =	vld.idx.msk [tilespmem:v11+s4+$0x0], $0xffff;
	v7 =	vsel vm14, v10, v7  }
0xff: {  	v10 =	vadd.s32 s30, v1;
	vm15 =	vgt.f32 v8, v7  }
0x100: {  	s31 =	sadd.s32 $0xFFFFFFF8, s21;
	v12 =	vld.idx.msk [tilespmem:v59+s4+$0x0], $0xffff;
	v7 =	vsel vm15, v8, v7  }
0x101: {  	v14 =	vsel vm2, $0x1, v2;
	v8 =	vadd.s32 s31, v1;
	vm2 =	vgt.f32 v9, v7  }
0x102: {  	v14 =	vsel vm3, $0x2, v14;
	s23 =	sadd.s32 $0xFFFFFFF9, s21;
	v13 =	vld.idx.msk [tilespmem:v60+s4+$0x0], $0xffff;
	v7 =	vsel vm2, v9, v7  }
0x103: {  	v14 =	vsel vm4, $0x3, v14;
	v9 =	vadd.s32 s23, v1;
	vm3 =	vgt.f32 v11, v7  }
0x104: {  	v14 =	vsel vm5, $0x4, v14;
	s24 =	sadd.s32 $0xFFFFFFFA, s21;
	v10 =	vld.idx.msk [tilespmem:v10+s4+$0x0], $0xffff;
	v7 =	vsel vm3, v11, v7  }
0x105: {  	v14 =	vsel vm6, $0x5, v14;
	v11 =	vadd.s32 s24, v1;
	vm4 =	vgt.f32 v12, v7  }
0x106: {  	v14 =	vsel vm7, $0x6, v14;
	s25 =	sadd.s32 $0xFFFFFFFB, s21;
	v8 =	vld.idx.msk [tilespmem:v8+s4+$0x0], $0xffff;
	v7 =	vsel vm4, v12, v7  }
0x107: {  	v14 =	vsel vm8, $0x7, v14;
	v61 =	vadd.s32 s25, v1;
	vm5 =	vgt.f32 v13, v7  }
0x108: {  	v14 =	vsel vm9, $0x8, v14;
	s26 =	sadd.s32 $0xFFFFFFFC, s21;
	v9 =	vld.idx.msk [tilespmem:v9+s4+$0x0], $0xffff;
	v7 =	vsel vm5, v13, v7  }
0x109: {  	v14 =	vsel vm10, $0x9, v14;
	v62 =	vadd.s32 s26, v1;
	vm6 =	vgt.f32 v10, v7  }
0x10a: {  	s28 =	sadd.s32 $0xFFFFFFFD, s21;
	v14 =	vsel vm11, $0xA, v14;
	v11 =	vld.idx.msk [tilespmem:v11+s4+$0x0], $0xffff;
	v7 =	vsel vm6, v10, v7  }
0x10b: {  	v14 =	vsel vm12, $0xB, v14;
	v10 =	vadd.s32 s28, v1;
	vm12 =	vgt.f32 v8, v7  }
0x10c: {  	s29 =	sadd.s32 $0xFFFFFFFE, s21;
	v14 =	vsel vm13, $0xC, v14;
	v12 =	vld.idx.msk [tilespmem:v61+s4+$0x0], $0xffff;
	v7 =	vsel vm12, v8, v7  }
0x10d: {  	v14 =	vsel vm14, $0xD, v14;
	v8 =	vadd.s32 s29, v1;
	vm13 =	vgt.f32 v9, v7  }
0x10e: {  	s30 =	sadd.s32 $0xFFFFFFFF, s21;
	v14 =	vsel vm15, $0xE, v14;
	v13 =	vld.idx.msk [tilespmem:v62+s4+$0x0], $0xffff;
	v7 =	vsel vm13, v9, v7  }
0x10f: {  	v14 =	vsel vm2, $0xF, v14;
	v9 =	vadd.s32 s30, v1;
	vm2 =	vgt.f32 v11, v7  }
0x110: {  	v14 =	vsel vm3, $0x10, v14;
	v10 =	vld.idx.msk [tilespmem:v10+s4+$0x0], $0xffff;
	v7 =	vsel vm2, v11, v7  }
0x111: {  	v14 =	vsel vm4, $0x11, v14;
	v11 =	vadd.s32 s21, v1;
	vm3 =	vgt.f32 v12, v7  }
0x112: {  	v14 =	vsel vm5, $0x12, v14;
	v8 =	vld.idx.msk [tilespmem:v8+s4+$0x0], $0xffff;
	v7 =	vsel vm3, v12, v7  }
0x113: {  	v63 =	vsel vm6, $0x13, v14;
	vm14 =	vgt.f32 v13, v7  }
0x114: {  	v12 =	vsel vm12, $0x14, v63;
	v9 =	vld.idx.msk [tilespmem:v9+s4+$0x0], $0xffff;
	v7 =	vsel vm14, v13, v7  }
0x115: {  	v12 =	vsel vm13, $0x15, v12;
	vm15 =	vgt.f32 v10, v7  }
0x116: {  	v12 =	vsel vm2, $0x16, v12;
	v11 =	vld.idx.msk [tilespmem:v11+s4+$0x0], $0xffff;
	v7 =	vsel vm15, v10, v7  }
0x117: {  	v10 =	vsel vm3, $0x17, v12;
	vm2 =	vgt.f32 v8, v7  }
0x118: {  	v10 =	vsel vm14, $0x18, v10;
	v7 =	vsel vm2, v8, v7  }
0x119: {  	v8 =	vsel vm15, $0x19, v10;
	vm3 =	vgt.f32 v9, v7  }
0x11a: {  	v8 =	vsel vm2, $0x1A, v8;
	v7 =	vsel vm3, v9, v7  }
0x11b: {  	v8 =	vsel vm3, $0x1B, v8;
	vm2 =	vgt.f32 v11, v7  }
0x11c: {  	s20 =	sadd.s32 $0x10, s20;
	v7 =	vsel vm2, $0x1C, v8  }
0x11d: {  	[tilespmem:s20+$0x0] =	vst v7  }
0x11e: {  	[tilespmem:$0x3E80] =	vst v3  }
0x11f: {  	[tilespmem:$0x3E90] =	vst v3  }
0x120: {  	[tilespmem:$0x3EA0] =	vst v3  }
0x121: {  	[tilespmem:$0x3EB0] =	vst v3  }
0x122: {  	[tilespmem:$0x3EC0] =	vst v3  }
0x123: {  	[tilespmem:$0x3ED0] =	vst v3  }
0x124: {  	[tilespmem:$0x3EE0] =	vst v3  }
0x125: {  	[tilespmem:$0x3EF0] =	vst v3  }
0x126: {  	[tilespmem:$0x3F00] =	vst v3  }
0x127: {  	[tilespmem:$0x3F10] =	vst v3  }
0x128: {  	[tilespmem:$0x3F20] =	vst v3  }
0x129: {  	[tilespmem:$0x3F30] =	vst v3  }
0x12a: {  	[tilespmem:$0x3F40] =	vst v3  }
0x12b: {  	[tilespmem:$0x3F50] =	vst v3  }
0x12c: {  	[tilespmem:$0x3F60] =	vst v3  }
0x12d: {  	[tilespmem:$0x3F70] =	vst v3  }
0x12e: {  	[tilespmem:$0x3F80] =	vst v3  }
0x12f: {  	[tilespmem:$0x3F90] =	vst v3  }
0x130: {  	[tilespmem:$0x3FA0] =	vst v3  }
0x131: {  	[tilespmem:$0x3FB0] =	vst v3  }
0x132: {  	[tilespmem:$0x3FC0] =	vst v3  }
0x133: {  	[tilespmem:$0x3FD0] =	vst v3  }
0x134: {  	[tilespmem:$0x3FE0] =	vst v3  }
0x135: {  	[tilespmem:$0x3FF0] =	vst v3  }
0x136: {  	[tilespmem:$0x4000] =	vst v3  }
0x137: {  	v7 =	vadd.s32 s5, v4;
	[tilespmem:$0x4010] =	vst v3  }
0x138: {  	[tilespmem:$0x4020] =	vst v3;
	vm2 =	vgt.s32 v7, $0x0  }
0x139: {  	[tilespmem:$0x4030] =	vst v3;
	v7 =	vnsel vm2, $0x0, v7  }
0x13a: {  	v8 =	vor.u32 s5, v0;
	[tilespmem:$0x4040] =	vst v3  }
0x13b: {  	[tilespmem:$0x4050] =	vst v3  }
0x13c: {  	[tilespmem:$0x4060] =	vst v3  }
0x13d: {  	[tilespmem:$0x4070] =	vst v3  }
0x13e: {  	s20 =	simm.s32 $0x0;
	v9 =	vld.idx.msk [tilespmem:v7+s13+$0x0], $0xffff  }
0x13f: {  	s31 =	sor.u32 s2, s20;
	v7 =	vld.idx.msk [tilespmem:v8+s13+$0x0], $0xffff  }
0x140: {  	p2 =	seq.s32 s31, $0x0;
	vm2 =	vmmov vm0  }
0x141: {  	vm2 =	vmneg @p2 vm2  }
0x142: {  	vm2 =	vmand vm2, vm1  }
0x143: {  	v8 =	vsel vm2, $0xFFFFFFFF, v9  }
0x144: {  	vm3 =	vne.s32 v7, $0x0;
	vm2 =	vne.s32 v7, v8  }
0x145: {  	vm2 =	vmand vm3, vm2  }
0x146: {  	v8 =	vsel vm2, $0x1, v2  }
0x147: {  	(xrf0) =	vadd.scan.msk.s32 $0xffff, v8;
	_ =	sdelay $0x1  }
0x148: {  	v8 =	vmov s20  }
0x149: {  	v8 =	vadd.s32 $0xFFFFFFFF, v8;
	_ =	sdelay $0x1  }
0x14a: {  	s22 =	sadd.s32 $0x10, s5;
	v9 =	vbroadcast v8, $0x0  }
0x14b: {  	s23 =	simm.s32 $0x2;
	s21 =	simm.s32 $0x1;
	v10 =	vadd.s32 s22, v4;
	v8, _, _ =	vpop (xrf0)  }
.LBB2_5:
0x14c: {  	p2 =	sne.s32 s23, $0x1F;
	vm3 =	vgt.s32 v10, $0x0;
	v9 =	vadd.s32 v8, v9;
	(v2sf) =	vpush v8, $0xF  }
0x14d: {  	v8 =	vnsel vm3, $0x0, v10  }
0x14e: {  	v10 =	vor.u32 s22, v0;
	_ =	sdelay $0x2  }
0x14f: {  	[tilespmem:v9+s14+$0x0] =	vst.idx.msk vm2, v7  }
0x150: {  	v8 =	vld.idx.msk [tilespmem:v8+s13+$0x0], $0xffff  }
0x151: {  	v7 =	vld.idx.msk [tilespmem:v10+s13+$0x0], $0xffff  }
0x152: {  	s24 =	sor.u32 s2, s21;
	s21 =	smov.u32 s23  }
0x153: {  	p3 =	seq.s32 s24, $0x0;
	vm2 =	vmmov vm0  }
0x154: {  	vm2 =	vmneg @p3 vm2  }
0x155: {  	vm2 =	vmand vm2, vm1  }
0x156: {  	v8 =	vsel vm2, $0xFFFFFFFF, v8  }
0x157: {  	vm2 =	vne.s32 v7, v8;
	vm3 =	vne.s32 v7, $0x0  }
0x158: {  	vm2 =	vmand vm3, vm2  }
0x159: {  	v8 =	vsel vm2, $0x1, v2;
	s24 =	spop (v2sf)  }
0x15a: {  	(xrf0) =	vadd.scan.msk.s32 $0xffff, v8;
	s20 =	sadd.s32 s20, s24  }
0x15b: {  	v8 =	vmov s20  }
.Ltmp4:
0x15c: {  	v8 =	vadd.s32 $0xFFFFFFFF, v8;
	(pc) =	sbr.rel @p2 .LBB2_5-.Ltmp4, $3  }
0x15d: {  	v9 =	vbroadcast v8, $0x0;
	_ =	sdelay $0x1  }
0x15e: {  	s22 =	sadd.s32 $0x10, s22  }
0x15f: {  	s23 =	sadd.s32 $0x1, s23;
	v10 =	vadd.s32 s22, v4;
	v8, _, _ =	vpop (xrf0)  }
0x160: {  	vm3 =	vgt.s32 v10, $0x0;
	v9 =	vadd.s32 v8, v9  }
0x161: {  	v10 =	vnsel vm3, $0x0, v10  }
0x162: {  	v11 =	vor.u32 s22, v0;
	_ =	sdelay $0x2  }
0x163: {  	[tilespmem:v9+s14+$0x0] =	vst.idx.msk vm2, v7  }
0x164: {  	v7 =	vld.idx.msk [tilespmem:v10+s13+$0x0], $0xffff  }
0x165: {  	s21 =	sor.u32 s2, s21;
	v9 =	vld.idx.msk [tilespmem:v11+s13+$0x0], $0xffff  }
0x166: {  	p2 =	seq.s32 s21, $0x0;
	vm2 =	vmmov vm0  }
0x167: {  	(v2sf) =	vpush v8, $0xF;
	vm2 =	vmneg @p2 vm2  }
0x168: {  	vm2 =	vmand vm2, vm1  }
0x169: {  	v7 =	vsel vm2, $0xFFFFFFFF, v7  }
0x16a: {  	vm3 =	vne.s32 v9, $0x0;
	vm2 =	vne.s32 v9, v7  }
0x16b: {  	vm2 =	vmand vm3, vm2  }
0x16c: {  	v7 =	vsel vm2, $0x1, v2  }
0x16d: {  	(xrf0) =	vadd.scan.msk.s32 $0xffff, v7;
	_ =	sdelay $0x5  }
0x16e: {  	v7, _, _ =	vpop (xrf0)  }
0x16f: {  	(v2sf) =	vpush v7, $0xF;
	_ =	sdelay $0x1  }
0x170: {  	s30 =	spop (v2sf)  }
0x171: {  	s20 =	sadd.s32 s20, s30  }
0x172: {  	v8 =	vmov s20  }
0x173: {  	v8 =	vadd.s32 $0xFFFFFFFF, v8  }
0x174: {  	v8 =	vbroadcast v8, $0x0;
	_ =	sdelay $0x1  }
0x175: {  	v7 =	vadd.s32 v7, v8;
	_ =	sdelay $0x4  }
0x176: {  	[tilespmem:v7+s14+$0x0] =	vst.idx.msk vm2, v9  }
0x177: {  	[spmem:s7] =	stream.linear.scatter [tilespmem:s14], [sflag:$0x1], $0x200, $0x38;
	[tilespmem:$0x6690] =	vst v63  }
0x178: {  	s31 =	spop (v2sf)  }
0x179: {  	_ =	swait.ge [sflag:s12], $0x200  }
0x17a: {  	s20 =	sadd.s32 s20, s31;
	[sflag:s12] =	ssyncset.done $0x0  }
0x17b: {  	v7 =	vmov s20;
	[sflag:s12] =	ssyncadd.s32 $0xFFFFFE00  }
0x17c: {  	[tilespmem:$0x4280] =	vst v7  }
0x17d: {  	[spmem:s8] =	stream.linear.scatter [tilespmem:s15], [sflag:$0x1], $0x10, $0x38;
	[tilespmem:$0x6690] =	vst v63  }
0x17e: {  	_ =	swait.ge [sflag:s12], $0x10  }
0x17f: {  	[sflag:s12] =	ssyncset.done $0x0  }
0x180: {  	[sflag:s12] =	ssyncadd.s32 $0xFFFFFFF0  }
0x181: {  	[bflag:$0x0] =	sbarrier.arrive $0xFFFF  }
0x182: {  	[tilespmem:s16], [sflag:$0x1] =	stream.linear.gather [spmem:s3], $0x2100, $0x38;
	[tilespmem:$0x6690] =	vst v63  }
0x183: {  	_ =	swait.ge [sflag:s12], $0x2100  }
0x184: {  	[sflag:s12] =	ssyncset.done $0x0  }
0x185: {  	[sflag:s12] =	ssyncadd.s32 $0xFFFFDF00  }
0x186: {  	v7 =	vld.idx.msk [tilespmem:v5+s16+$0x0], $0xffff;
	_ =	sdelay $0x4  }
0x187: {  	(xrf0) =	vadd.scan.msk.s32 $0xffff, v7;
	_ =	sdelay $0x5  }
0x188: {  	v8, _, _ =	vpop (xrf0)  }
0x189: {  	v7 =	vsub.s32 v8, v7  }
0x18a: {  	s21 =	smov.u32 s9;
	s20 =	simm.s32 $0x0;
	[tilespmem:$0x4300] =	vst v7;
	v7 =	vbroadcast v8, $0xF  }
.LBB2_7:
0x18b: {  	v8 =	vld.idx.msk [tilespmem:v6+s17+$0x0], $0xffff;
	_ =	sdelay $0x3  }
0x18c: {  	v9 =	vor.u32 s21, v0  }
0x18d: {  	vm2 =	vgt.s32 v8, v9  }
0x18e: {  	v8 =	vsel vm2, $0x0, v6  }
0x18f: {  	v10 =	vor.u32 $0x4, v8;
	_ =	sdelay $0x4  }
0x190: {  	v11 =	vld.idx.msk [tilespmem:v10+s17+$0x0], $0xffff;
	_ =	sdelay $0x4  }
0x191: {  	vm2 =	vgt.s32 v11, v9  }
0x192: {  	v8 =	vsel vm2, v8, v10  }
0x193: {  	v10 =	vor.u32 $0x2, v8;
	_ =	sdelay $0x4  }
0x194: {  	v62 =	vld.idx.msk [tilespmem:v10+s17+$0x0], $0xffff;
	_ =	sdelay $0x4  }
0x195: {  	vm2 =	vgt.s32 v62, v9  }
0x196: {  	v8 =	vsel vm2, v8, v10  }
0x197: {  	v10 =	vor.u32 $0x1, v8;
	_ =	sdelay $0x4  }
0x198: {  	v63 =	vld.idx.msk [tilespmem:v10+s17+$0x0], $0xffff;
	_ =	sdelay $0x4  }
0x199: {  	vm2 =	vgt.s32 v63, v9  }
0x19a: {  	v8 =	vsel vm2, v8, v10;
	_ =	sdelay $0x4  }
0x19b: {  	v10 =	vld.idx.msk [tilespmem:v8+s17+$0x0], $0xffff;
	_ =	sdelay $0x4  }
0x19c: {  	v10 =	vsub.s32 v9, v10  }
0x19d: {  	v8 =	vmul.u32 $0x210, v8;
	vm2 =	vlt.s32 v10, $0x1FF  }
0x19e: {  	v10 =	vnsel vm2, $0x1FF, v10  }
0x19f: {  	v8 =	vadd.s32 v10, v8;
	_ =	sdelay $0x4  }
0x1a0: {  	v8 =	vld.idx.msk [tilespmem:v8+s16+$0x0], $0xffff  }
0x1a1: {  	p2 =	sne.s32 s20, $0x7C0  }
.Ltmp5:
0x1a2: {  	_ = 	snop;
	(pc) =	sbr.rel @p2 .LBB2_7-.Ltmp5, $4  }
0x1a3: {  	_ = 	snop  }
0x1a4: {  	vm2 =	vlt.s32 v9, v7  }
0x1a5: {  	s22 =	sshra.s32 s20, $0x2;
	v8 =	vnsel vm2, $0xFFFFFFFF, v8  }
0x1a6: {  	s21 =	sadd.s32 $0x10, s21;
	s20 =	sadd.s32 $0x40, s20;
	[tilespmem:s22+$0x4080] =	vst v8  }
0x1a7: {  	[hbm4b:s10+s4] =	stream.linear.scatter [tilespmem:s18], [sflag:$0x1], $0x200, $0x38;
	[tilespmem:$0x6690] =	vst v63  }
0x1a8: {  	_ =	swait.ge [sflag:s12], $0x200  }
0x1a9: {  	[sflag:s12] =	ssyncset.done $0x0  }
0x1aa: {  	[sflag:s12] =	ssyncadd.s32 $0xFFFFFE00  }
0x1ab: {  	s20 =	simm.s32 @!p1 $0x0;
	s21 =	simm.s32 @!p1 $0x4280;
	[tilespmem:$0x4280] =	vst @!p1 v7  }
0x1ac: {  	[hbm4b:s1+s20] =	stream.linear.scatter @!p1 [tilespmem:s21], [sflag:$0x1], $0x80, $0x38;
	[tilespmem:$0x6690] =	vst v63  }
.Ltmp6:
0x1ad: {  	_ = 	snop;
	(pc) =	sbr.rel .LBB2_10-.Ltmp6, $4  }
0x1ae: {  	s20 =	simm.s32 @!p1 $0x1  }
0x1af: {  	_ =	swait.ge @!p1 [sflag:s20], $0x80  }
0x1b0: {  	[sflag:s20] =	ssyncset.done @!p1 $0x0  }
0x1b1: {  	[sflag:s20] =	ssyncadd.s32 @!p1 $0xFFFFFF80  }
.LBB2_11:
0x1b2: {  	_ =	sfence.sel $0x180000  }
0x1b3: {  	[bflag:$0x0] =	sbarrier.arrive $0xFFFF  }
0x1b4: {  	_ =	strace $0x90000047  }
0x1b5: {  	s0 =	sadd.s32 @!p1 $0x100000, s0;
	[bflag:$0x2] =	sbarrier.arrive $0xFFFF  }
0x1b6: {  	[sflag:s0] =	ssyncadd.tile.s32 @!p1 $0x1;
	_ =	shalt  }
.Lfunc_end2:
_tile_overlayer_lowered:
.L_overlay_start_2:
0x1b7: {  	(tag) =	ssettag $0x2  }
0x1b8: {  	s0 =	rddreg [dreg:$0x0];
	s2 =	stileid.u32  }
0x1b9: {  	s1 =	rddreg [dreg:$0x1];
	p0 =	sne.s32 s2, $0x0  }
0x1ba: {  	s3 =	rddreg [dreg:$0x2];
	[bflag:$0x3] =	sbarrier.arrive $0xFFFF;
	s2 =	simm.s32 @!p0 $0x1C01  }
0x1bb: {  	[timem:s3], [sflag:s2] =	dma.local @!p0 [hbm:s0], s1  }
0x1bc: {  	s0 =	simm.s32 @!p0 $0x1  }
0x1bd: {  	_ =	swait.ge @!p0 [sflag:s0], s1  }
0x1be: {  	s1 =	ssub.s32 @!p0 $0x0, s1;
	[sflag:s0] =	ssyncset.done @!p0 $0x0  }
0x1bf: {  	[sflag:s0] =	ssyncadd.s32 @!p0 s1  }
0x1c0: {  	[bflag:$0x3] =	sbarrier.arrive $0xFFFF  }
0x1c1: {  	_ =	shalt  }

</sc_bundles>
